<compile_context>
chip_gen: v7x
topology: tpu7x:2x2x1
jax: 0.10.2.dev20260603
libtpu: 0.0.44.dev20260713+nightly
codegen_flags: <defaults>
</compile_context>

<pallas_src>
import jax
import jax.numpy as jnp
import numpy as np
from jax import lax
from jax.experimental import pallas as pl
from jax.experimental.pallas import tpu as pltpu

N = 20000
C = 80
SCORE_THRESH = 0.01
NMS_THRESH = 0.5
DET_PER_IM = 100
PRE_NMS_TOPK = 1000
BBOX_CLIP = float(np.log(1000.0 / 16.0))

_ROWS = 1000
_PAD = 1024


def _score_kernel(lab_ref, bbox_ref, prop_ref, out_ref):
    lab = lab_ref[...]
    m = jnp.max(lab, axis=1, keepdims=True)
    e = jnp.exp(lab - m)
    s = jnp.sum(e, axis=1, keepdims=True)
    scores = (e / s)[:, 1:]

    bb = bbox_ref[...]
    ri = lax.broadcasted_iota(jnp.int32, (4 * C + 4, C), 0)
    ci = lax.broadcasted_iota(jnp.int32, (4 * C + 4, C), 1)

    def pick(comp):
        sel = (ri == 4 * ci + 4 + comp).astype(jnp.float32)
        return jnp.dot(bb, sel, preferred_element_type=jnp.float32)

    x1 = prop_ref[:, 0:1]
    y1 = prop_ref[:, 1:2]
    x2 = prop_ref[:, 2:3]
    y2 = prop_ref[:, 3:4]
    w = x2 - x1
    h = y2 - y1
    cx = x1 + 0.5 * w
    cy = y1 + 0.5 * h
    dx = pick(0)
    dy = pick(1)
    dwc = jnp.minimum(pick(2), BBOX_CLIP)
    dhc = jnp.minimum(pick(3), BBOX_CLIP)
    pcx = dx * w + cx
    pcy = dy * h + cy
    pw = jnp.exp(dwc) * w
    ph = jnp.exp(dhc) * h
    ax = (pcx + 0.5 * pw) - (pcx - 0.5 * pw)
    ay = (pcy + 0.5 * ph) - (pcy - 0.5 * ph)
    area = ay * ax
    valid = (scores > SCORE_THRESH) & (area > 0.1)
    out_ref[...] = jnp.where(valid, lax.bitcast_convert_type(scores, jnp.int32), 0)


def _nms_kernel(dx_ref, dy_ref, dw_ref, dh_ref, px1_ref, py1_ref, px2_ref,
                py2_ref, lab_ref, sc_ref, out_ref):
    jj = (lax.broadcasted_iota(jnp.int32, (8, 128), 0) * 128
          + lax.broadcasted_iota(jnp.int32, (8, 128), 1))
    real = jj < PRE_NMS_TOPK
    x1p = px1_ref[...]
    y1p = py1_ref[...]
    x2p = px2_ref[...]
    y2p = py2_ref[...]
    w = x2p - x1p
    h = y2p - y1p
    cx = x1p + 0.5 * w
    cy = y1p + 0.5 * h
    dx = dx_ref[...]
    dy = dy_ref[...]
    dwc = jnp.minimum(dw_ref[...], BBOX_CLIP)
    dhc = jnp.minimum(dh_ref[...], BBOX_CLIP)
    pcx = dx * w + cx
    pcy = dy * h + cy
    pw = jnp.exp(dwc) * w
    ph = jnp.exp(dhc) * h
    bx1 = pcx - 0.5 * pw
    by1 = pcy - 0.5 * ph
    bx2 = pcx + 0.5 * pw
    by2 = pcy + 0.5 * ph
    labs = lab_ref[...]
    scores = sc_ref[...]

    neg = jnp.float32(-jnp.inf)
    mc = jnp.maximum(
        jnp.max(jnp.where(real, bx1, neg)),
        jnp.maximum(
            jnp.max(jnp.where(real, by1, neg)),
            jnp.maximum(jnp.max(jnp.where(real, bx2, neg)),
                        jnp.max(jnp.where(real, by2, neg)))),
    ) + 1.0
    offs = labs * mc
    ox1 = bx1 + offs
    oy1 = by1 + offs
    ox2 = bx2 + offs
    oy2 = by2 + offs
    areas = (ox2 - ox1) * (oy2 - oy1)

    def ext(sel, a):
        return jnp.sum(jnp.where(sel, a, 0.0))

    def body(i, work):
        m = jnp.max(work)
        idx = jnp.min(jnp.where(work == m, jj, jnp.int32(1 << 30)))
        sel = jj == idx
        vx1 = ext(sel, ox1)
        vy1 = ext(sel, oy1)
        vx2 = ext(sel, ox2)
        vy2 = ext(sel, oy2)
        va = ext(sel, areas)
        w_i = jnp.sum(jnp.where(sel, work, 0.0))
        valid = w_i > 0.0
        xx1 = jnp.maximum(ox1, vx1)
        yy1 = jnp.maximum(oy1, vy1)
        xx2 = jnp.minimum(ox2, vx2)
        yy2 = jnp.minimum(oy2, vy2)
        inter = jnp.clip(xx2 - xx1, 0.0) * jnp.clip(yy2 - yy1, 0.0)
        iou = inter / (areas + va - inter + 1e-9)
        work = jnp.where(iou > NMS_THRESH, neg, work)
        li = lax.broadcasted_iota(jnp.int32, (1, 128), 1)
        row = jnp.zeros((1, 128), jnp.float32)
        for k, v in enumerate(
                (ext(sel, bx1), ext(sel, by1), ext(sel, bx2), ext(sel, by2),
                 jnp.sum(jnp.where(sel, scores, 0.0)))):
            row = jnp.where(li == k, jnp.where(valid, v, 0.0), row)
        out_ref[pl.ds(i, 1), :] = row
        return work

    lax.fori_loop(0, DET_PER_IM, body, scores)


def _masked_scores(label_pre, bbox_pre, proposals):
    grid = (N // _ROWS,)
    rb = lambda j: (j, 0)
    return pl.pallas_call(
        _score_kernel,
        grid=grid,
        in_specs=[
            pl.BlockSpec((_ROWS, C + 1), rb),
            pl.BlockSpec((_ROWS, 4 * C + 4), rb),
            pl.BlockSpec((_ROWS, 4), rb),
        ],
        out_specs=pl.BlockSpec((_ROWS, C), rb),
        out_shape=jax.ShapeDtypeStruct((N, C), jnp.int32),
    )(label_pre, bbox_pre, proposals)


_KROWS = N * C // 128
_SLAB = 12500
_NSLAB = _KROWS // _SLAB
_XS = 100
_NX = _KROWS // _XS
_KEY_FLOOR = 0x3C000000


def _select_kernel(keys_ref, idx_ref, g_ref, e_ref, c_ref):
    big = jnp.int32(1 << 30)

    def count_ge(x):
        def slab(i, acc):
            k = keys_ref[pl.ds(i * _SLAB, _SLAB), :]
            return acc + jnp.sum((k >= x).astype(jnp.int32))
        return lax.fori_loop(0, _NSLAB, slab, jnp.int32(0))

    def search4(b, lo):
        q = lax.shift_left(jnp.int32(1), 24 - 2 * b)

        def slab(i, acc):
            k = keys_ref[pl.ds(i * _SLAB, _SLAB), :]
            c1, c2, c3 = acc
            return (c1 + jnp.sum((k >= lo + q).astype(jnp.int32)),
                    c2 + jnp.sum((k >= lo + 2 * q).astype(jnp.int32)),
                    c3 + jnp.sum((k >= lo + 3 * q).astype(jnp.int32)))

        z = jnp.int32(0)
        c1, c2, c3 = lax.fori_loop(0, _NSLAB, slab, (z, z, z))
        kk = jnp.int32(PRE_NMS_TOPK)
        step = jnp.where(c3 >= kk, 3 * q,
                         jnp.where(c2 >= kk, 2 * q,
                                   jnp.where(c1 >= kk, q, 0)))
        return lo + step

    lo0 = jnp.where(count_ge(jnp.int32(_KEY_FLOOR)) >= PRE_NMS_TOPK,
                    jnp.int32(_KEY_FLOOR), jnp.int32(0))
    lo = lax.fori_loop(0, 13, search4, lo0)

    def stats(s, macc):
        k = keys_ref[pl.ds(s * _XS, _XS), :]
        g = jnp.sum((k > lo).astype(jnp.int32))
        g_ref[s] = g
        e_ref[s] = jnp.sum((k == lo).astype(jnp.int32))
        return macc + g

    m = lax.fori_loop(0, _NX, stats, jnp.int32(0))
    r = PRE_NMS_TOPK - m

    def pref(s, eqp):
        e_s = e_ref[s]
        take = jnp.clip(r - eqp, 0, e_s)
        c_ref[s] = g_ref[s] + take
        return eqp + e_s

    lax.fori_loop(0, _NX, pref, jnp.int32(0))

    out_iota = (lax.broadcasted_iota(jnp.int32, (8, 128), 0) * 128
                + lax.broadcasted_iota(jnp.int32, (8, 128), 1))
    jx = (lax.broadcasted_iota(jnp.int32, (_XS, 128), 0) * 128
          + lax.broadcasted_iota(jnp.int32, (_XS, 128), 1))

    def slab_body(s, carry):
        budget, total, acc_i = carry
        k = keys_ref[pl.ds(s * _XS, _XS), :]
        jj = jx + s * (_XS * 128)
        gt = k > lo
        eq = k == lo
        cc = jj * 2 + eq.astype(jnp.int32)
        cand = (gt | (eq & (budget > 0))).astype(jnp.int32)

        def extract(_, c):
            cand, budget, total, acc_i = c
            candb = cand > 0
            i = jnp.min(jnp.where(candb, cc, big), axis=(0, 1), keepdims=True)
            budget = budget - (i & 1)
            acc_i = jnp.where(out_iota == total, lax.shift_right_logical(i, 1),
                              acc_i)
            total = total + 1
            candb = (candb & (cc != i)) & (gt | (eq & (budget > 0)))
            return candb.astype(jnp.int32), budget, total, acc_i

        _, budget, total, acc_i = lax.fori_loop(
            0, c_ref[s], extract, (cand, budget, total, acc_i))
        return budget, total, acc_i

    zero = jnp.zeros((8, 128), jnp.int32)
    _, _, acc_i = lax.fori_loop(
        0, _NX, slab_body,
        (jnp.full((1, 1), r, jnp.int32), jnp.zeros((1, 1), jnp.int32), zero))
    idx_ref[...] = acc_i


def _select(keys):
    return pl.pallas_call(
        _select_kernel,
        in_specs=[pl.BlockSpec((_KROWS, 128), lambda: (0, 0))],
        out_specs=pl.BlockSpec((8, 128), lambda: (0, 0)),
        out_shape=jax.ShapeDtypeStruct((8, 128), jnp.int32),
        scratch_shapes=[pltpu.SMEM((_NX,), jnp.int32)] * 3,
    )(keys)


def _nms(cols, top_labels_f):
    npad = _PAD - PRE_NMS_TOPK
    labs = jnp.concatenate(
        [top_labels_f, jnp.zeros((npad,), jnp.float32)]).reshape(8, 128)
    args = tuple(a.reshape(8, 128) for a in cols[:8]) + (labs,
                                                         cols[8].reshape(8, 128))
    out = pl.pallas_call(
        _nms_kernel,
        in_specs=[pl.BlockSpec((8, 128), lambda: (0, 0))] * 10,
        out_specs=pl.BlockSpec((DET_PER_IM, 128), lambda: (0, 0)),
        out_shape=jax.ShapeDtypeStruct((DET_PER_IM, 128), jnp.float32),
    )(*args)
    return out[:, :5]


def _impl(label_pre, bbox_pre, proposals):
    keys = _masked_scores(label_pre, bbox_pre, proposals)
    sel_idx = _select(keys.reshape(_KROWS, 128))
    top_idx = sel_idx.reshape(-1)[:PRE_NMS_TOPK]
    keys_flat = keys.reshape(-1)
    slot = jnp.arange(_PAD)
    fpad = jnp.concatenate([top_idx, jnp.zeros((_PAD - PRE_NMS_TOPK,),
                                               top_idx.dtype)])
    real = slot < PRE_NMS_TOPK
    n = fpad // C
    cl = fpad % C
    deltas = bbox_pre[n[:, None], (4 * (cl + 1))[:, None] + jnp.arange(4)[None, :]]
    props = proposals[n]
    kk = keys_flat[fpad]
    scv = jnp.where(kk == 0, -1.0, lax.bitcast_convert_type(kk, jnp.float32))
    cols = tuple(jnp.where(real, deltas[:, i], 0.0) for i in range(4))
    cols += tuple(jnp.where(real, props[:, i], 0.0) for i in range(4))
    cols += (jnp.where(real, scv, -jnp.inf),)
    top_labels_f = (top_idx % C + 1).astype(jnp.float32)
    return _nms(cols, top_labels_f)


def kernel(label_pre, bbox_pre, proposals):
    return _impl(label_pre, bbox_pre, proposals)

# --- scband reference (transcript-rebuilt; emitter-appended) ---
"""Pipeline reference for scband-ro-inet-12214886989943 (READ-ONLY COPY).

The authoritative reference and input builder live on the scoring server;
editing this copy changes nothing except your own understanding.
"""

import jax, jax.numpy as jnp
import numpy as np

N = 20000
C = 80  # class_num (foreground classes)
SCORE_THRESH = 0.01
NMS_THRESH = 0.5
DET_PER_IM = 100
PRE_NMS_TOPK = 1000


def setup_inputs(seed: int = 0) -> dict:
    key = jax.random.key(seed)
    k1, k2, k3, k4 = jax.random.split(key, 4)
    label_pre = jax.random.normal(k1, (N, C + 1), dtype=jnp.float32)
    bbox_pre = jax.random.normal(k2, (N, (C + 1) * 4), dtype=jnp.float32) * 0.1
    xy = jax.random.uniform(k3, (N, 2), dtype=jnp.float32) * 800.0
    wh = jax.random.uniform(k4, (N, 2), dtype=jnp.float32) * 200.0 + 2.0
    proposals = jnp.concatenate([xy, xy + wh], axis=1)
    return {"label_pre": label_pre, "bbox_pre": bbox_pre, "proposals": proposals}


def _decode_once(deltas, boxes):
    # standard Faster R-CNN delta_xywh decoding (box_coder.decode_once)
    w = boxes[:, 2] - boxes[:, 0]
    h = boxes[:, 3] - boxes[:, 1]
    cx = boxes[:, 0] + 0.5 * w
    cy = boxes[:, 1] + 0.5 * h
    dx, dy, dw, dh = deltas[:, 0], deltas[:, 1], deltas[:, 2], deltas[:, 3]
    bbox_xform_clip = float(np.log(1000.0 / 16.0))
    dw = jnp.minimum(dw, bbox_xform_clip)
    dh = jnp.minimum(dh, bbox_xform_clip)
    pcx = dx * w + cx
    pcy = dy * h + cy
    pw = jnp.exp(dw) * w
    ph = jnp.exp(dh) * h
    return jnp.stack([pcx - 0.5 * pw, pcy - 0.5 * ph, pcx + 0.5 * pw, pcy + 0.5 * ph], axis=-1)


def _forward(label_pre, bbox_pre, proposals):
    # inference_result for a single image
    probs = jax.nn.softmax(label_pre, axis=1)
    deltas = bbox_pre[:, 4:].reshape(-1, 4)                              # (N*C, 4)
    prop = jnp.broadcast_to(proposals[:, None, :], (N, C, 4)).reshape(-1, 4)
    boxes = _decode_once(deltas, prop)                                   # (N*C, 4)
    scores = probs[:, 1:].reshape(-1)                                    # (N*C,)
    labels = jnp.broadcast_to(jnp.arange(1, C + 1)[None, :], (N, C)).reshape(-1)
    # score threshold + remove_small_boxes via masking (fixed-shape)
    area = (boxes[:, 3] - boxes[:, 1]) * (boxes[:, 2] - boxes[:, 0])
    valid = (scores > SCORE_THRESH) & (area > 0.1)
    scores_m = jnp.where(valid, scores, -1.0)
    top_scores, top_idx = jax.lax.top_k(scores_m, PRE_NMS_TOPK)
    top_boxes = boxes[top_idx]
    top_labels = labels[top_idx]
    # batched_nms: offset boxes per class so NMS is class-independent
    max_coord = jax.lax.stop_gradient(jnp.max(top_boxes)) + 1.0
    offs = top_labels.astype(jnp.float32) * max_coord
    nb = top_boxes + offs[:, None]
    x1, y1, x2, y2 = nb[:, 0], nb[:, 1], nb[:, 2], nb[:, 3]
    areas = (x2 - x1) * (y2 - y1)
    work = top_scores
    keep_list = []
    valid_list = []
    for _ in range(DET_PER_IM):
        i = jnp.argmax(work)
        keep_list.append(i)
        valid_list.append(work[i] > 0.0)
        xx1 = jnp.maximum(x1, x1[i])
        yy1 = jnp.maximum(y1, y1[i])
        xx2 = jnp.minimum(x2, x2[i])
        yy2 = jnp.minimum(y2, y2[i])
        inter = jnp.clip(xx2 - xx1, 0.0) * jnp.clip(yy2 - yy1, 0.0)
        iou = inter / (areas + areas[i] - inter + 1e-9)
        work = jnp.where(iou > NMS_THRESH, -jnp.inf, work)
    keep = jnp.stack(keep_list)
    vmask = jnp.stack(valid_list)
    out_boxes = jnp.where(vmask[:, None], top_boxes[keep], 0.0)
    out_scores = jnp.where(vmask, top_scores[keep], 0.0)
    return jnp.concatenate([out_boxes, out_scores[:, None]], axis=1)  # (DET_PER_IM, 5)


def reference(label_pre, bbox_pre, proposals):
    return _forward(label_pre, bbox_pre, proposals)

if __name__ == "__main__":
    import jax
    _d = setup_inputs()
    print(jax.jit(kernel)(*tuple(_d.values())))

</pallas_src>

<mosaic_0001>
module attributes {stable_mosaic.version = 14 : i64} {
  func.func @_score_kernel(%arg0: i32, %arg1: memref<1000x81xf32, #tpu.memory_space<vmem>>, %arg2: memref<1000x324xf32, #tpu.memory_space<vmem>>, %arg3: memref<1000x4xf32, #tpu.memory_space<vmem>>, %arg4: memref<1000x80xi32, #tpu.memory_space<vmem>>) attributes {dimension_semantics = [#tpu.dimension_semantics<arbitrary>], iteration_bounds = array<i64: 20>, scalar_prefetch = 0 : i64, scratch_operands = 0 : i64, tpu.core_type = #tpu.core_type<tc>, window_params = [{transform_indices = @transform_0, window_bounds = array<i64: 1000, 81>}, {transform_indices = @transform_1, window_bounds = array<i64: 1000, 324>}, {transform_indices = @transform_2, window_bounds = array<i64: 1000, 4>}, {transform_indices = @transform_3, window_bounds = array<i64: 1000, 80>}]} {
    %get3A = arith.constant 0 : index
    %get3A_0 = arith.constant 0 : index
    %get3A_1 = vector.load %arg1[%get3A, %get3A_0] : memref<1000x81xf32, #tpu.memory_space<vmem>>, vector<1000x81xf32>
    %reduce_max3A = arith.constant dense<0xFF800000> : vector<1000xf32>
    %reduce_max3A_2 = vector.multi_reduction <maximumf>, %get3A_1, %reduce_max3A [1] : vector<1000x81xf32> to vector<1000xf32>
    %broadcast_in_dim3A = vector.shape_cast %reduce_max3A_2 : vector<1000xf32> to vector<1000x1xf32>
    %sub3A = vector.broadcast %broadcast_in_dim3A : vector<1000x1xf32> to vector<1000x81xf32>
    %sub3A_3 = arith.subf %get3A_1, %sub3A : vector<1000x81xf32>
    %exp3A = math.exp %sub3A_3 : vector<1000x81xf32>
    %reduce_sum3A = arith.constant dense<0.000000e+00> : vector<1000xf32>
    %reduce_sum3A_4 = vector.multi_reduction <add>, %exp3A, %reduce_sum3A [1] : vector<1000x81xf32> to vector<1000xf32>
    %broadcast_in_dim3A_5 = vector.shape_cast %reduce_sum3A_4 : vector<1000xf32> to vector<1000x1xf32>
    %div3A = vector.broadcast %broadcast_in_dim3A_5 : vector<1000x1xf32> to vector<1000x81xf32>
    %div3A_6 = arith.divf %exp3A, %div3A : vector<1000x81xf32>
    %slice3A = vector.extract_strided_slice %div3A_6 {offsets = [0, 1], sizes = [1000, 80], strides = [1, 1]} : vector<1000x81xf32> to vector<1000x80xf32>
    %get3A_7 = arith.constant 0 : index
    %get3A_8 = arith.constant 0 : index
    %get3A_9 = vector.load %arg2[%get3A_7, %get3A_8] : memref<1000x324xf32, #tpu.memory_space<vmem>>, vector<1000x324xf32>
    %iota3A = tpu.iota {dimensions = array<i32: 0>} : vector<324x80xi32>
    %iota3A_10 = tpu.iota {dimensions = array<i32: 1>} : vector<324x80xi32>
    %get3A_11 = arith.constant 0 : index
    %get3A_12 = arith.constant 0 : index
    %get3A_13 = vector.load %arg3[%get3A_11, %get3A_12] : memref<1000x4xf32, #tpu.memory_space<vmem>>, vector<1000x1xf32>
    %get3A_14 = arith.constant 0 : index
    %get3A_15 = arith.constant 1 : index
    %get3A_16 = vector.load %arg3[%get3A_14, %get3A_15] : memref<1000x4xf32, #tpu.memory_space<vmem>>, vector<1000x1xf32>
    %get3A_17 = arith.constant 0 : index
    %get3A_18 = arith.constant 2 : index
    %get3A_19 = vector.load %arg3[%get3A_17, %get3A_18] : memref<1000x4xf32, #tpu.memory_space<vmem>>, vector<1000x1xf32>
    %get3A_20 = arith.constant 0 : index
    %get3A_21 = arith.constant 3 : index
    %get3A_22 = vector.load %arg3[%get3A_20, %get3A_21] : memref<1000x4xf32, #tpu.memory_space<vmem>>, vector<1000x1xf32>
    %sub3A_23 = arith.subf %get3A_19, %get3A_13 : vector<1000x1xf32>
    %sub3A_24 = arith.subf %get3A_22, %get3A_16 : vector<1000x1xf32>
    %mul3A = arith.constant 5.000000e-01 : f32
    %mul3A_25 = vector.broadcast %mul3A : f32 to vector<1000x1xf32>
    %mul3A_26 = arith.mulf %mul3A_25, %sub3A_23 : vector<1000x1xf32>
    %add3A = arith.addf %get3A_13, %mul3A_26 : vector<1000x1xf32>
    %mul3A_27 = arith.constant 5.000000e-01 : f32
    %mul3A_28 = vector.broadcast %mul3A_27 : f32 to vector<1000x1xf32>
    %mul3A_29 = arith.mulf %mul3A_28, %sub3A_24 : vector<1000x1xf32>
    %add3A_30 = arith.addf %get3A_16, %mul3A_29 : vector<1000x1xf32>
    %mul3A_31 = arith.constant 4 : i32
    %mul3A_32 = vector.broadcast %mul3A_31 : i32 to vector<324x80xi32>
    %mul3A_33 = arith.muli %mul3A_32, %iota3A_10 : vector<324x80xi32>
    %add3A_34 = arith.constant 4 : i32
    %add3A_35 = vector.broadcast %add3A_34 : i32 to vector<324x80xi32>
    %add3A_36 = arith.addi %mul3A_33, %add3A_35 : vector<324x80xi32>
    %add3A_37 = arith.constant 0 : i32
    %add3A_38 = vector.broadcast %add3A_37 : i32 to vector<324x80xi32>
    %add3A_39 = arith.addi %add3A_36, %add3A_38 : vector<324x80xi32>
    %eq3A = arith.cmpi eq, %iota3A, %add3A_39 : vector<324x80xi32>
    %convert_element_type3A = arith.extui %eq3A : vector<324x80xi1> to vector<324x80xi32>
    %convert_element_type3A_40 = arith.sitofp %convert_element_type3A : vector<324x80xi32> to vector<324x80xf32>
    %dot_general3A = arith.constant dense<0.000000e+00> : vector<1000x80xf32>
    %dot_general3A_41 = tpu.matmul %get3A_9, %convert_element_type3A_40, %dot_general3A {dimension_numbers = #tpu.dot_dimension_numbers<[1], [0], [0], [1], [0, 0, 1, 1], [], []>, transpose_lhs_hint = false} : vector<1000x324xf32>, vector<324x80xf32>, vector<1000x80xf32> -> vector<1000x80xf32>
    %mul3A_42 = arith.constant 4 : i32
    %mul3A_43 = vector.broadcast %mul3A_42 : i32 to vector<324x80xi32>
    %mul3A_44 = arith.muli %mul3A_43, %iota3A_10 : vector<324x80xi32>
    %add3A_45 = arith.constant 4 : i32
    %add3A_46 = vector.broadcast %add3A_45 : i32 to vector<324x80xi32>
    %add3A_47 = arith.addi %mul3A_44, %add3A_46 : vector<324x80xi32>
    %add3A_48 = arith.constant 1 : i32
    %add3A_49 = vector.broadcast %add3A_48 : i32 to vector<324x80xi32>
    %add3A_50 = arith.addi %add3A_47, %add3A_49 : vector<324x80xi32>
    %eq3A_51 = arith.cmpi eq, %iota3A, %add3A_50 : vector<324x80xi32>
    %convert_element_type3A_52 = arith.extui %eq3A_51 : vector<324x80xi1> to vector<324x80xi32>
    %convert_element_type3A_53 = arith.sitofp %convert_element_type3A_52 : vector<324x80xi32> to vector<324x80xf32>
    %dot_general3A_54 = arith.constant dense<0.000000e+00> : vector<1000x80xf32>
    %dot_general3A_55 = tpu.matmul %get3A_9, %convert_element_type3A_53, %dot_general3A_54 {dimension_numbers = #tpu.dot_dimension_numbers<[1], [0], [0], [1], [0, 0, 1, 1], [], []>, transpose_lhs_hint = false} : vector<1000x324xf32>, vector<324x80xf32>, vector<1000x80xf32> -> vector<1000x80xf32>
    %mul3A_56 = arith.constant 4 : i32
    %mul3A_57 = vector.broadcast %mul3A_56 : i32 to vector<324x80xi32>
    %mul3A_58 = arith.muli %mul3A_57, %iota3A_10 : vector<324x80xi32>
    %add3A_59 = arith.constant 4 : i32
    %add3A_60 = vector.broadcast %add3A_59 : i32 to vector<324x80xi32>
    %add3A_61 = arith.addi %mul3A_58, %add3A_60 : vector<324x80xi32>
    %add3A_62 = arith.constant 2 : i32
    %add3A_63 = vector.broadcast %add3A_62 : i32 to vector<324x80xi32>
    %add3A_64 = arith.addi %add3A_61, %add3A_63 : vector<324x80xi32>
    %eq3A_65 = arith.cmpi eq, %iota3A, %add3A_64 : vector<324x80xi32>
    %convert_element_type3A_66 = arith.extui %eq3A_65 : vector<324x80xi1> to vector<324x80xi32>
    %convert_element_type3A_67 = arith.sitofp %convert_element_type3A_66 : vector<324x80xi32> to vector<324x80xf32>
    %dot_general3A_68 = arith.constant dense<0.000000e+00> : vector<1000x80xf32>
    %dot_general3A_69 = tpu.matmul %get3A_9, %convert_element_type3A_67, %dot_general3A_68 {dimension_numbers = #tpu.dot_dimension_numbers<[1], [0], [0], [1], [0, 0, 1, 1], [], []>, transpose_lhs_hint = false} : vector<1000x324xf32>, vector<324x80xf32>, vector<1000x80xf32> -> vector<1000x80xf32>
    %min3A = arith.constant 4.13516665 : f32
    %min3A_70 = vector.broadcast %min3A : f32 to vector<1000x80xf32>
    %min3A_71 = arith.minimumf %dot_general3A_69, %min3A_70 : vector<1000x80xf32>
    %mul3A_72 = arith.constant 4 : i32
    %mul3A_73 = vector.broadcast %mul3A_72 : i32 to vector<324x80xi32>
    %mul3A_74 = arith.muli %mul3A_73, %iota3A_10 : vector<324x80xi32>
    %add3A_75 = arith.constant 4 : i32
    %add3A_76 = vector.broadcast %add3A_75 : i32 to vector<324x80xi32>
    %add3A_77 = arith.addi %mul3A_74, %add3A_76 : vector<324x80xi32>
    %add3A_78 = arith.constant 3 : i32
    %add3A_79 = vector.broadcast %add3A_78 : i32 to vector<324x80xi32>
    %add3A_80 = arith.addi %add3A_77, %add3A_79 : vector<324x80xi32>
    %eq3A_81 = arith.cmpi eq, %iota3A, %add3A_80 : vector<324x80xi32>
    %convert_element_type3A_82 = arith.extui %eq3A_81 : vector<324x80xi1> to vector<324x80xi32>
    %convert_element_type3A_83 = arith.sitofp %convert_element_type3A_82 : vector<324x80xi32> to vector<324x80xf32>
    %dot_general3A_84 = arith.constant dense<0.000000e+00> : vector<1000x80xf32>
    %dot_general3A_85 = tpu.matmul %get3A_9, %convert_element_type3A_83, %dot_general3A_84 {dimension_numbers = #tpu.dot_dimension_numbers<[1], [0], [0], [1], [0, 0, 1, 1], [], []>, transpose_lhs_hint = false} : vector<1000x324xf32>, vector<324x80xf32>, vector<1000x80xf32> -> vector<1000x80xf32>
    %min3A_86 = arith.constant 4.13516665 : f32
    %min3A_87 = vector.broadcast %min3A_86 : f32 to vector<1000x80xf32>
    %min3A_88 = arith.minimumf %dot_general3A_85, %min3A_87 : vector<1000x80xf32>
    %mul3A_89 = vector.broadcast %sub3A_23 : vector<1000x1xf32> to vector<1000x80xf32>
    %mul3A_90 = arith.mulf %dot_general3A_41, %mul3A_89 : vector<1000x80xf32>
    %add3A_91 = vector.broadcast %add3A : vector<1000x1xf32> to vector<1000x80xf32>
    %add3A_92 = arith.addf %mul3A_90, %add3A_91 : vector<1000x80xf32>
    %mul3A_93 = vector.broadcast %sub3A_24 : vector<1000x1xf32> to vector<1000x80xf32>
    %mul3A_94 = arith.mulf %dot_general3A_55, %mul3A_93 : vector<1000x80xf32>
    %add3A_95 = vector.broadcast %add3A_30 : vector<1000x1xf32> to vector<1000x80xf32>
    %add3A_96 = arith.addf %mul3A_94, %add3A_95 : vector<1000x80xf32>
    %exp3A_97 = math.exp %min3A_71 : vector<1000x80xf32>
    %mul3A_98 = vector.broadcast %sub3A_23 : vector<1000x1xf32> to vector<1000x80xf32>
    %mul3A_99 = arith.mulf %exp3A_97, %mul3A_98 : vector<1000x80xf32>
    %exp3A_100 = math.exp %min3A_88 : vector<1000x80xf32>
    %mul3A_101 = vector.broadcast %sub3A_24 : vector<1000x1xf32> to vector<1000x80xf32>
    %mul3A_102 = arith.mulf %exp3A_100, %mul3A_101 : vector<1000x80xf32>
    %mul3A_103 = arith.constant 5.000000e-01 : f32
    %mul3A_104 = vector.broadcast %mul3A_103 : f32 to vector<1000x80xf32>
    %mul3A_105 = arith.mulf %mul3A_104, %mul3A_99 : vector<1000x80xf32>
    %add3A_106 = arith.addf %add3A_92, %mul3A_105 : vector<1000x80xf32>
    %mul3A_107 = arith.constant 5.000000e-01 : f32
    %mul3A_108 = vector.broadcast %mul3A_107 : f32 to vector<1000x80xf32>
    %mul3A_109 = arith.mulf %mul3A_108, %mul3A_99 : vector<1000x80xf32>
    %sub3A_110 = arith.subf %add3A_92, %mul3A_109 : vector<1000x80xf32>
    %sub3A_111 = arith.subf %add3A_106, %sub3A_110 : vector<1000x80xf32>
    %mul3A_112 = arith.constant 5.000000e-01 : f32
    %mul3A_113 = vector.broadcast %mul3A_112 : f32 to vector<1000x80xf32>
    %mul3A_114 = arith.mulf %mul3A_113, %mul3A_102 : vector<1000x80xf32>
    %add3A_115 = arith.addf %add3A_96, %mul3A_114 : vector<1000x80xf32>
    %mul3A_116 = arith.constant 5.000000e-01 : f32
    %mul3A_117 = vector.broadcast %mul3A_116 : f32 to vector<1000x80xf32>
    %mul3A_118 = arith.mulf %mul3A_117, %mul3A_102 : vector<1000x80xf32>
    %sub3A_119 = arith.subf %add3A_96, %mul3A_118 : vector<1000x80xf32>
    %sub3A_120 = arith.subf %add3A_115, %sub3A_119 : vector<1000x80xf32>
    %mul3A_121 = arith.mulf %sub3A_120, %sub3A_111 : vector<1000x80xf32>
    %gt3A = arith.constant 0.00999999977 : f32
    %gt3A_122 = vector.broadcast %gt3A : f32 to vector<1000x80xf32>
    %gt3A_123 = arith.cmpf ogt, %slice3A, %gt3A_122 : vector<1000x80xf32>
    %gt3A_124 = arith.constant 1.000000e-01 : f32
    %gt3A_125 = vector.broadcast %gt3A_124 : f32 to vector<1000x80xf32>
    %gt3A_126 = arith.cmpf ogt, %mul3A_121, %gt3A_125 : vector<1000x80xf32>
    %and3A = arith.andi %gt3A_123, %gt3A_126 : vector<1000x80xi1>
    %bitcast_convert_type3A = tpu.bitcast %slice3A : vector<1000x80xf32> -> vector<1000x80xi32>
    %jit3A = arith.constant 0 : i32
    %broadcast_in_dim3A_127 = vector.broadcast %jit3A : i32 to vector<1000x80xi32>
    %select_n3A = arith.select %and3A, %bitcast_convert_type3A, %broadcast_in_dim3A_127 : vector<1000x80xi1>, vector<1000x80xi32>
    %swap3A = arith.constant 0 : index
    %swap3A_128 = arith.constant 0 : index
    %swap3A_129 = vector.load %arg4[%swap3A, %swap3A_128] : memref<1000x80xi32, #tpu.memory_space<vmem>>, vector<1000x80xi32>
    tpu.vector_store %arg4[%swap3A, %swap3A_128], %select_n3A {strides = array<i32>} : memref<1000x80xi32, #tpu.memory_space<vmem>>, vector<1000x80xi32>,
    return
  }
  func.func @transform_0(%arg0: i32) -> (i32, i32) {
    %c0_i32 = arith.constant 0 : i32
    %c0_i32_0 = arith.constant 0 : i32
    return %arg0, %c0_i32 : i32, i32
  }
  func.func @transform_1(%arg0: i32) -> (i32, i32) {
    %c0_i32 = arith.constant 0 : i32
    %c0_i32_0 = arith.constant 0 : i32
    return %arg0, %c0_i32 : i32, i32
  }
  func.func @transform_2(%arg0: i32) -> (i32, i32) {
    %c0_i32 = arith.constant 0 : i32
    %c0_i32_0 = arith.constant 0 : i32
    return %arg0, %c0_i32 : i32, i32
  }
  func.func @transform_3(%arg0: i32) -> (i32, i32) {
    %c0_i32 = arith.constant 0 : i32
    %c0_i32_0 = arith.constant 0 : i32
    return %arg0, %c0_i32 : i32, i32
  }
}

module attributes {stable_mosaic.version = 14 : i64} {
  func.func @_select_kernel(%arg0: memref<12500x128xi32, #tpu.memory_space<vmem>>, %arg1: memref<8x128xi32, #tpu.memory_space<vmem>>, %arg2: memref<125xi32, #tpu.memory_space<smem>>, %arg3: memref<125xi32, #tpu.memory_space<smem>>, %arg4: memref<125xi32, #tpu.memory_space<smem>>) attributes {dimension_semantics = [], scalar_prefetch = 0 : i64, scratch_operands = 3 : i64, tpu.core_type = #tpu.core_type<tc>} {
    %scan3A = arith.constant 1006632960 : i32
    %scan3A_0 = arith.constant 0 : i32
    %scan3A_1 = arith.constant 0 : i32
    %mul3A = arith.constant 12500 : i32
    %mul3A_2 = arith.muli %scan3A_1, %mul3A : i32
    %get3A = arith.index_cast %mul3A_2 : i32 to index
    %get3A_3 = arith.constant 0 : index
    %get3A_4 = vector.load %arg0[%get3A, %get3A_3] : memref<12500x128xi32, #tpu.memory_space<vmem>>, vector<12500x128xi32>
    %ge3A = vector.broadcast %scan3A : i32 to vector<12500x128xi32>
    %ge3A_5 = arith.cmpi sge, %get3A_4, %ge3A : vector<12500x128xi32>
    %convert_element_type3A = arith.extui %ge3A_5 : vector<12500x128xi1> to vector<12500x128xi32>
    %reduce_sum3A = vector.shape_cast %convert_element_type3A : vector<12500x128xi32> to vector<1x12500x128xi32>
    %reduce_sum3A_6 = arith.constant dense<0> : vector<1xi32>
    %reduce_sum3A_7 = vector.multi_reduction <add>, %reduce_sum3A, %reduce_sum3A_6 [1, 2] : vector<1x12500x128xi32> to vector<1xi32>
    %reduce_sum3A_8 = vector.shape_cast %reduce_sum3A_7 : vector<1xi32> to vector<1x1x1xi32>
    %reduce_sum3A_9 = vector.extract %reduce_sum3A_8[0, 0, 0] : i32 from vector<1x1x1xi32>
    %add3A = arith.addi %scan3A_0, %reduce_sum3A_9 : i32
    %scan3A_10 = arith.constant 1 : i32
    %ge3A_11 = arith.constant 1000 : i32
    %ge3A_12 = arith.cmpi sge, %add3A, %ge3A_11 : i32
    %jit3A = arith.constant 1006632960 : i32
    %jit3A_13 = arith.constant 0 : i32
    %select_n3A = arith.select %ge3A_12, %jit3A, %jit3A_13 : i32
    %scan3A_14 = arith.constant 0 : i32
    %scan3A_15 = arith.constant 13 : i32
    %scan3A_16 = arith.addi %scan3A_14, %scan3A_15 : i32
    %scan3A_17 = arith.constant 1 : i32
    %scan3A_18 = scf.for %scan3A_59 = %scan3A_14 to %scan3A_16 step %scan3A_17 iter_args(%scan3A_60 = %select_n3A) -> (i32)  : i32 {
      %mul3A_61 = arith.constant 2 : i32
      %mul3A_62 = arith.muli %mul3A_61, %scan3A_59 : i32
      %sub3A_63 = arith.constant 24 : i32
      %sub3A_64 = arith.subi %sub3A_63, %mul3A_62 : i32
      %shift_left3A = arith.constant 1 : i32
      %shift_left3A_65 = arith.shli %shift_left3A, %sub3A_64 : i32
      %scan3A_66 = arith.constant 0 : i32
      %scan3A_67 = arith.constant 0 : i32
      %scan3A_68 = arith.constant 0 : i32
      %scan3A_69 = arith.constant 0 : i32
      %mul3A_70 = arith.constant 12500 : i32
      %mul3A_71 = arith.muli %scan3A_69, %mul3A_70 : i32
      %get3A_72 = arith.index_cast %mul3A_71 : i32 to index
      %get3A_73 = arith.constant 0 : index
      %get3A_74 = vector.load %arg0[%get3A_72, %get3A_73] : memref<12500x128xi32, #tpu.memory_space<vmem>>, vector<12500x128xi32>
      %add3A_75 = arith.addi %scan3A_60, %shift_left3A_65 : i32
      %ge3A_76 = vector.broadcast %add3A_75 : i32 to vector<12500x128xi32>
      %ge3A_77 = arith.cmpi sge, %get3A_74, %ge3A_76 : vector<12500x128xi32>
      %convert_element_type3A_78 = arith.extui %ge3A_77 : vector<12500x128xi1> to vector<12500x128xi32>
      %reduce_sum3A_79 = vector.shape_cast %convert_element_type3A_78 : vector<12500x128xi32> to vector<1x12500x128xi32>
      %reduce_sum3A_80 = arith.constant dense<0> : vector<1xi32>
      %reduce_sum3A_81 = vector.multi_reduction <add>, %reduce_sum3A_79, %reduce_sum3A_80 [1, 2] : vector<1x12500x128xi32> to vector<1xi32>
      %reduce_sum3A_82 = vector.shape_cast %reduce_sum3A_81 : vector<1xi32> to vector<1x1x1xi32>
      %reduce_sum3A_83 = vector.extract %reduce_sum3A_82[0, 0, 0] : i32 from vector<1x1x1xi32>
      %add3A_84 = arith.addi %scan3A_66, %reduce_sum3A_83 : i32
      %mul3A_85 = arith.constant 2 : i32
      %mul3A_86 = arith.muli %mul3A_85, %shift_left3A_65 : i32
      %add3A_87 = arith.addi %scan3A_60, %mul3A_86 : i32
      %ge3A_88 = vector.broadcast %add3A_87 : i32 to vector<12500x128xi32>
      %ge3A_89 = arith.cmpi sge, %get3A_74, %ge3A_88 : vector<12500x128xi32>
      %convert_element_type3A_90 = arith.extui %ge3A_89 : vector<12500x128xi1> to vector<12500x128xi32>
      %reduce_sum3A_91 = vector.shape_cast %convert_element_type3A_90 : vector<12500x128xi32> to vector<1x12500x128xi32>
      %reduce_sum3A_92 = arith.constant dense<0> : vector<1xi32>
      %reduce_sum3A_93 = vector.multi_reduction <add>, %reduce_sum3A_91, %reduce_sum3A_92 [1, 2] : vector<1x12500x128xi32> to vector<1xi32>
      %reduce_sum3A_94 = vector.shape_cast %reduce_sum3A_93 : vector<1xi32> to vector<1x1x1xi32>
      %reduce_sum3A_95 = vector.extract %reduce_sum3A_94[0, 0, 0] : i32 from vector<1x1x1xi32>
      %add3A_96 = arith.addi %scan3A_67, %reduce_sum3A_95 : i32
      %mul3A_97 = arith.constant 3 : i32
      %mul3A_98 = arith.muli %mul3A_97, %shift_left3A_65 : i32
      %add3A_99 = arith.addi %scan3A_60, %mul3A_98 : i32
      %ge3A_100 = vector.broadcast %add3A_99 : i32 to vector<12500x128xi32>
      %ge3A_101 = arith.cmpi sge, %get3A_74, %ge3A_100 : vector<12500x128xi32>
      %convert_element_type3A_102 = arith.extui %ge3A_101 : vector<12500x128xi1> to vector<12500x128xi32>
      %reduce_sum3A_103 = vector.shape_cast %convert_element_type3A_102 : vector<12500x128xi32> to vector<1x12500x128xi32>
      %reduce_sum3A_104 = arith.constant dense<0> : vector<1xi32>
      %reduce_sum3A_105 = vector.multi_reduction <add>, %reduce_sum3A_103, %reduce_sum3A_104 [1, 2] : vector<1x12500x128xi32> to vector<1xi32>
      %reduce_sum3A_106 = vector.shape_cast %reduce_sum3A_105 : vector<1xi32> to vector<1x1x1xi32>
      %reduce_sum3A_107 = vector.extract %reduce_sum3A_106[0, 0, 0] : i32 from vector<1x1x1xi32>
      %add3A_108 = arith.addi %scan3A_68, %reduce_sum3A_107 : i32
      %scan3A_109 = arith.constant 1 : i32
      %ge3A_110 = arith.constant 1000 : i32
      %ge3A_111 = arith.cmpi sge, %add3A_108, %ge3A_110 : i32
      %mul3A_112 = arith.constant 3 : i32
      %mul3A_113 = arith.muli %mul3A_112, %shift_left3A_65 : i32
      %ge3A_114 = arith.constant 1000 : i32
      %ge3A_115 = arith.cmpi sge, %add3A_96, %ge3A_114 : i32
      %mul3A_116 = arith.constant 2 : i32
      %mul3A_117 = arith.muli %mul3A_116, %shift_left3A_65 : i32
      %ge3A_118 = arith.constant 1000 : i32
      %ge3A_119 = arith.cmpi sge, %add3A_84, %ge3A_118 : i32
      %jit3A_120 = arith.constant 0 : i32
      %select_n3A_121 = arith.select %ge3A_119, %shift_left3A_65, %jit3A_120 : i32
      %select_n3A_122 = arith.select %ge3A_115, %mul3A_117, %select_n3A_121 : i32
      %select_n3A_123 = arith.select %ge3A_111, %mul3A_113, %select_n3A_122 : i32
      %add3A_124 = arith.addi %scan3A_60, %select_n3A_123 : i32
      scf.yield %add3A_124 : i32
    }
    %scan3A_19 = arith.constant 13 : i32
    %scan3A_20 = arith.constant 0 : i32
    %scan3A_21 = arith.constant 0 : i32
    %scan3A_22 = arith.constant 125 : i32
    %scan3A_23 = arith.addi %scan3A_21, %scan3A_22 : i32
    %scan3A_24 = arith.constant 1 : i32
    %scan3A_25 = scf.for %scan3A_59 = %scan3A_21 to %scan3A_23 step %scan3A_24 iter_args(%scan3A_60 = %scan3A_20) -> (i32)  : i32 {
      %mul3A_61 = arith.constant 100 : i32
      %mul3A_62 = arith.muli %scan3A_59, %mul3A_61 : i32
      %get3A_63 = arith.index_cast %mul3A_62 : i32 to index
      %get3A_64 = arith.constant 0 : index
      %get3A_65 = vector.load %arg0[%get3A_63, %get3A_64] : memref<12500x128xi32, #tpu.memory_space<vmem>>, vector<100x128xi32>
      %gt3A = vector.broadcast %scan3A_18 : i32 to vector<100x128xi32>
      %gt3A_66 = arith.cmpi sgt, %get3A_65, %gt3A : vector<100x128xi32>
      %convert_element_type3A_67 = arith.extui %gt3A_66 : vector<100x128xi1> to vector<100x128xi32>
      %reduce_sum3A_68 = vector.shape_cast %convert_element_type3A_67 : vector<100x128xi32> to vector<1x100x128xi32>
      %reduce_sum3A_69 = arith.constant dense<0> : vector<1xi32>
      %reduce_sum3A_70 = vector.multi_reduction <add>, %reduce_sum3A_68, %reduce_sum3A_69 [1, 2] : vector<1x100x128xi32> to vector<1xi32>
      %reduce_sum3A_71 = vector.shape_cast %reduce_sum3A_70 : vector<1xi32> to vector<1x1x1xi32>
      %reduce_sum3A_72 = vector.extract %reduce_sum3A_71[0, 0, 0] : i32 from vector<1x1x1xi32>
      %swap3A_73 = arith.index_cast %scan3A_59 : i32 to index
      %swap3A_74 = memref.load %arg2[%swap3A_73] : memref<125xi32, #tpu.memory_space<smem>>
      memref.store %reduce_sum3A_72, %arg2[%swap3A_73] : memref<125xi32, #tpu.memory_space<smem>>
      %eq3A = vector.broadcast %scan3A_18 : i32 to vector<100x128xi32>
      %eq3A_75 = arith.cmpi eq, %get3A_65, %eq3A : vector<100x128xi32>
      %convert_element_type3A_76 = arith.extui %eq3A_75 : vector<100x128xi1> to vector<100x128xi32>
      %reduce_sum3A_77 = vector.shape_cast %convert_element_type3A_76 : vector<100x128xi32> to vector<1x100x128xi32>
      %reduce_sum3A_78 = arith.constant dense<0> : vector<1xi32>
      %reduce_sum3A_79 = vector.multi_reduction <add>, %reduce_sum3A_77, %reduce_sum3A_78 [1, 2] : vector<1x100x128xi32> to vector<1xi32>
      %reduce_sum3A_80 = vector.shape_cast %reduce_sum3A_79 : vector<1xi32> to vector<1x1x1xi32>
      %reduce_sum3A_81 = vector.extract %reduce_sum3A_80[0, 0, 0] : i32 from vector<1x1x1xi32>
      %swap3A_82 = arith.index_cast %scan3A_59 : i32 to index
      %swap3A_83 = memref.load %arg3[%swap3A_82] : memref<125xi32, #tpu.memory_space<smem>>
      memref.store %reduce_sum3A_81, %arg3[%swap3A_82] : memref<125xi32, #tpu.memory_space<smem>>
      %add3A_84 = arith.addi %scan3A_60, %reduce_sum3A_72 : i32
      scf.yield %add3A_84 : i32
    }
    %scan3A_26 = arith.constant 125 : i32
    %sub3A = arith.constant 1000 : i32
    %sub3A_27 = arith.subi %sub3A, %scan3A_25 : i32
    %scan3A_28 = arith.constant 0 : i32
    %scan3A_29 = arith.constant 0 : i32
    %scan3A_30 = arith.constant 125 : i32
    %scan3A_31 = arith.addi %scan3A_29, %scan3A_30 : i32
    %scan3A_32 = arith.constant 1 : i32
    %scan3A_33 = scf.for %scan3A_59 = %scan3A_29 to %scan3A_31 step %scan3A_32 iter_args(%scan3A_60 = %scan3A_28) -> (i32)  : i32 {
      %get3A_61 = arith.index_cast %scan3A_59 : i32 to index
      %get3A_62 = memref.load %arg3[%get3A_61] : memref<125xi32, #tpu.memory_space<smem>>
      %sub3A_63 = arith.subi %sub3A_27, %scan3A_60 : i32
      %jit3A_64 = arith.constant 0 : i32
      %max3A = arith.maxsi %jit3A_64, %sub3A_63 : i32
      %min3A = arith.minsi %get3A_62, %max3A : i32
      %get3A_65 = arith.index_cast %scan3A_59 : i32 to index
      %get3A_66 = memref.load %arg2[%get3A_65] : memref<125xi32, #tpu.memory_space<smem>>
      %add3A_67 = arith.addi %get3A_66, %min3A : i32
      %swap3A_68 = arith.index_cast %scan3A_59 : i32 to index
      %swap3A_69 = memref.load %arg4[%swap3A_68] : memref<125xi32, #tpu.memory_space<smem>>
      memref.store %add3A_67, %arg4[%swap3A_68] : memref<125xi32, #tpu.memory_space<smem>>
      %add3A_70 = arith.addi %scan3A_60, %get3A_62 : i32
      scf.yield %add3A_70 : i32
    }
    %scan3A_34 = arith.constant 125 : i32
    %iota3A = tpu.iota {dimensions = array<i32: 0>} : vector<8x128xi32>
    %mul3A_35 = arith.constant 128 : i32
    %mul3A_36 = vector.broadcast %mul3A_35 : i32 to vector<8x128xi32>
    %mul3A_37 = arith.muli %iota3A, %mul3A_36 : vector<8x128xi32>
    %iota3A_38 = tpu.iota {dimensions = array<i32: 1>} : vector<8x128xi32>
    %add3A_39 = arith.addi %mul3A_37, %iota3A_38 : vector<8x128xi32>
    %iota3A_40 = tpu.iota {dimensions = array<i32: 0>} : vector<100x128xi32>
    %mul3A_41 = arith.constant 128 : i32
    %mul3A_42 = vector.broadcast %mul3A_41 : i32 to vector<100x128xi32>
    %mul3A_43 = arith.muli %iota3A_40, %mul3A_42 : vector<100x128xi32>
    %iota3A_44 = tpu.iota {dimensions = array<i32: 1>} : vector<100x128xi32>
    %add3A_45 = arith.addi %mul3A_43, %iota3A_44 : vector<100x128xi32>
    %broadcast_in_dim3A = arith.constant 0 : i32
    %broadcast_in_dim3A_46 = vector.broadcast %broadcast_in_dim3A : i32 to vector<8x128xi32>
    %broadcast_in_dim3A_47 = vector.broadcast %sub3A_27 : i32 to vector<1x1xi32>
    %broadcast_in_dim3A_48 = arith.constant 0 : i32
    %broadcast_in_dim3A_49 = vector.broadcast %broadcast_in_dim3A_48 : i32 to vector<1x1xi32>
    %scan3A_50 = arith.constant 1073741824 : i32
    %scan3A_51 = arith.constant 0 : i32
    %scan3A_52 = arith.constant 125 : i32
    %scan3A_53 = arith.addi %scan3A_51, %scan3A_52 : i32
    %scan3A_54 = arith.constant 1 : i32
    %scan3A_55:3 = scf.for %scan3A_59 = %scan3A_51 to %scan3A_53 step %scan3A_54 iter_args(%scan3A_60 = %broadcast_in_dim3A_47, %scan3A_61 = %broadcast_in_dim3A_49, %scan3A_62 = %broadcast_in_dim3A_46) -> (vector<1x1xi32>, vector<1x1xi32>, vector<8x128xi32>)  : i32 {
      %mul3A_63 = arith.constant 100 : i32
      %mul3A_64 = arith.muli %scan3A_59, %mul3A_63 : i32
      %get3A_65 = arith.index_cast %mul3A_64 : i32 to index
      %get3A_66 = arith.constant 0 : index
      %get3A_67 = vector.load %arg0[%get3A_65, %get3A_66] : memref<12500x128xi32, #tpu.memory_space<vmem>>, vector<100x128xi32>
      %mul3A_68 = arith.constant 12800 : i32
      %mul3A_69 = arith.muli %scan3A_59, %mul3A_68 : i32
      %add3A_70 = vector.broadcast %mul3A_69 : i32 to vector<100x128xi32>
      %add3A_71 = arith.addi %add3A_45, %add3A_70 : vector<100x128xi32>
      %gt3A = vector.broadcast %scan3A_18 : i32 to vector<100x128xi32>
      %gt3A_72 = arith.cmpi sgt, %get3A_67, %gt3A : vector<100x128xi32>
      %eq3A = vector.broadcast %scan3A_18 : i32 to vector<100x128xi32>
      %eq3A_73 = arith.cmpi eq, %get3A_67, %eq3A : vector<100x128xi32>
      %mul3A_74 = arith.constant 2 : i32
      %mul3A_75 = vector.broadcast %mul3A_74 : i32 to vector<100x128xi32>
      %mul3A_76 = arith.muli %add3A_71, %mul3A_75 : vector<100x128xi32>
      %convert_element_type3A_77 = arith.extui %eq3A_73 : vector<100x128xi1> to vector<100x128xi32>
      %add3A_78 = arith.addi %mul3A_76, %convert_element_type3A_77 : vector<100x128xi32>
      %gt3A_79 = arith.constant 0 : i32
      %gt3A_80 = vector.broadcast %gt3A_79 : i32 to vector<1x1xi32>
      %gt3A_81 = arith.cmpi sgt, %scan3A_60, %gt3A_80 : vector<1x1xi32>
      %and3A = vector.broadcast %gt3A_81 : vector<1x1xi1> to vector<100x128xi1>
      %and3A_82 = arith.andi %eq3A_73, %and3A : vector<100x128xi1>
      %or3A = arith.ori %gt3A_72, %and3A_82 : vector<100x128xi1>
      %convert_element_type3A_83 = arith.extui %or3A : vector<100x128xi1> to vector<100x128xi32>
      %get3A_84 = arith.index_cast %scan3A_59 : i32 to index
      %get3A_85 = memref.load %arg4[%get3A_84] : memref<125xi32, #tpu.memory_space<smem>>
      %while3A = arith.constant 0 : i32
      %while3A_86 = arith.subi %get3A_85, %while3A : i32
      %while3A_87 = arith.addi %while3A, %while3A_86 : i32
      %while3A_88 = arith.constant 1 : i32
      %while3A_89 = arith.divsi %while3A_86, %while3A_88 : i32
      %while3A_90 = arith.muli %while3A_89, %while3A_88 : i32
      %while3A_91 = arith.addi %while3A, %while3A_90 : i32
      %while3A_92 = arith.constant 1 : i32
      %while3A_93:4 = scf.for %while3A_96 = %while3A to %while3A_91 step %while3A_92 iter_args(%while3A_97 = %convert_element_type3A_83, %while3A_98 = %scan3A_60, %while3A_99 = %scan3A_61, %while3A_100 = %scan3A_62) -> (vector<100x128xi32>, vector<1x1xi32>, vector<1x1xi32>, vector<8x128xi32>)  : i32 {
        %gt3A_101 = arith.constant 0 : i32
        %gt3A_102 = vector.broadcast %gt3A_101 : i32 to vector<100x128xi32>
        %gt3A_103 = arith.cmpi sgt, %while3A_97, %gt3A_102 : vector<100x128xi32>
        %broadcast_in_dim3A_104 = vector.broadcast %scan3A_50 : i32 to vector<100x128xi32>
        %select_n3A_105 = arith.select %gt3A_103, %add3A_78, %broadcast_in_dim3A_104 : vector<100x128xi1>, vector<100x128xi32>
        %reduce_min3A = vector.shape_cast %select_n3A_105 : vector<100x128xi32> to vector<1x100x128xi32>
        %reduce_min3A_106 = arith.constant dense<2147483647> : vector<1xi32>
        %reduce_min3A_107 = vector.multi_reduction <minsi>, %reduce_min3A, %reduce_min3A_106 [1, 2] : vector<1x100x128xi32> to vector<1xi32>
        %reduce_min3A_108 = vector.shape_cast %reduce_min3A_107 : vector<1xi32> to vector<1x1x1xi32>
        %reduce_min3A_109 = vector.extract %reduce_min3A_108[0, 0, 0] : i32 from vector<1x1x1xi32>
        %broadcast_in_dim3A_110 = vector.broadcast %reduce_min3A_109 : i32 to vector<1x1xi32>
        %and3A_111 = arith.constant 1 : i32
        %and3A_112 = vector.broadcast %and3A_111 : i32 to vector<1x1xi32>
        %and3A_113 = arith.andi %broadcast_in_dim3A_110, %and3A_112 : vector<1x1xi32>
        %sub3A_114 = arith.subi %while3A_98, %and3A_113 : vector<1x1xi32>
        %eq3A_115 = vector.broadcast %while3A_99 : vector<1x1xi32> to vector<8x128xi32>
        %eq3A_116 = arith.cmpi eq, %add3A_39, %eq3A_115 : vector<8x128xi32>
        %shift_right_logical3A = arith.constant 1 : i32
        %shift_right_logical3A_117 = vector.broadcast %shift_right_logical3A : i32 to vector<1x1xi32>
        %shift_right_logical3A_118 = arith.shrui %broadcast_in_dim3A_110, %shift_right_logical3A_117 : vector<1x1xi32>
        %broadcast_in_dim3A_119 = vector.shape_cast %shift_right_logical3A_118 : vector<1x1xi32> to vector<1x1xi32>
        %broadcast_in_dim3A_120 = vector.broadcast %broadcast_in_dim3A_119 : vector<1x1xi32> to vector<8x128xi32>
        %select_n3A_121 = arith.select %eq3A_116, %broadcast_in_dim3A_120, %while3A_100 : vector<8x128xi1>, vector<8x128xi32>
        %add3A_122 = arith.constant 1 : i32
        %add3A_123 = vector.broadcast %add3A_122 : i32 to vector<1x1xi32>
        %add3A_124 = arith.addi %while3A_99, %add3A_123 : vector<1x1xi32>
        %ne3A = vector.broadcast %broadcast_in_dim3A_110 : vector<1x1xi32> to vector<100x128xi32>
        %ne3A_125 = arith.cmpi ne, %add3A_78, %ne3A : vector<100x128xi32>
        %and3A_126 = arith.andi %gt3A_103, %ne3A_125 : vector<100x128xi1>
        %gt3A_127 = arith.constant 0 : i32
        %gt3A_128 = vector.broadcast %gt3A_127 : i32 to vector<1x1xi32>
        %gt3A_129 = arith.cmpi sgt, %sub3A_114, %gt3A_128 : vector<1x1xi32>
        %and3A_130 = vector.broadcast %gt3A_129 : vector<1x1xi1> to vector<100x128xi1>
        %and3A_131 = arith.andi %eq3A_73, %and3A_130 : vector<100x128xi1>
        %or3A_132 = arith.ori %gt3A_72, %and3A_131 : vector<100x128xi1>
        %and3A_133 = arith.andi %and3A_126, %or3A_132 : vector<100x128xi1>
        %convert_element_type3A_134 = arith.extui %and3A_133 : vector<100x128xi1> to vector<100x128xi32>
        scf.yield %convert_element_type3A_134, %sub3A_114, %add3A_124, %select_n3A_121 : vector<100x128xi32>, vector<1x1xi32>, vector<1x1xi32>, vector<8x128xi32>
      }
      %while3A_94 = arith.constant 1 : i32
      %while3A_95:4 = scf.for %while3A_96 = %while3A_91 to %while3A_87 step %while3A_94 iter_args(%while3A_97 = %while3A_93#0, %while3A_98 = %while3A_93#1, %while3A_99 = %while3A_93#2, %while3A_100 = %while3A_93#3) -> (vector<100x128xi32>, vector<1x1xi32>, vector<1x1xi32>, vector<8x128xi32>)  : i32 {
        %gt3A_101 = arith.constant 0 : i32
        %gt3A_102 = vector.broadcast %gt3A_101 : i32 to vector<100x128xi32>
        %gt3A_103 = arith.cmpi sgt, %while3A_97, %gt3A_102 : vector<100x128xi32>
        %broadcast_in_dim3A_104 = vector.broadcast %scan3A_50 : i32 to vector<100x128xi32>
        %select_n3A_105 = arith.select %gt3A_103, %add3A_78, %broadcast_in_dim3A_104 : vector<100x128xi1>, vector<100x128xi32>
        %reduce_min3A = vector.shape_cast %select_n3A_105 : vector<100x128xi32> to vector<1x100x128xi32>
        %reduce_min3A_106 = arith.constant dense<2147483647> : vector<1xi32>
        %reduce_min3A_107 = vector.multi_reduction <minsi>, %reduce_min3A, %reduce_min3A_106 [1, 2] : vector<1x100x128xi32> to vector<1xi32>
        %reduce_min3A_108 = vector.shape_cast %reduce_min3A_107 : vector<1xi32> to vector<1x1x1xi32>
        %reduce_min3A_109 = vector.extract %reduce_min3A_108[0, 0, 0] : i32 from vector<1x1x1xi32>
        %broadcast_in_dim3A_110 = vector.broadcast %reduce_min3A_109 : i32 to vector<1x1xi32>
        %and3A_111 = arith.constant 1 : i32
        %and3A_112 = vector.broadcast %and3A_111 : i32 to vector<1x1xi32>
        %and3A_113 = arith.andi %broadcast_in_dim3A_110, %and3A_112 : vector<1x1xi32>
        %sub3A_114 = arith.subi %while3A_98, %and3A_113 : vector<1x1xi32>
        %eq3A_115 = vector.broadcast %while3A_99 : vector<1x1xi32> to vector<8x128xi32>
        %eq3A_116 = arith.cmpi eq, %add3A_39, %eq3A_115 : vector<8x128xi32>
        %shift_right_logical3A = arith.constant 1 : i32
        %shift_right_logical3A_117 = vector.broadcast %shift_right_logical3A : i32 to vector<1x1xi32>
        %shift_right_logical3A_118 = arith.shrui %broadcast_in_dim3A_110, %shift_right_logical3A_117 : vector<1x1xi32>
        %broadcast_in_dim3A_119 = vector.shape_cast %shift_right_logical3A_118 : vector<1x1xi32> to vector<1x1xi32>
        %broadcast_in_dim3A_120 = vector.broadcast %broadcast_in_dim3A_119 : vector<1x1xi32> to vector<8x128xi32>
        %select_n3A_121 = arith.select %eq3A_116, %broadcast_in_dim3A_120, %while3A_100 : vector<8x128xi1>, vector<8x128xi32>
        %add3A_122 = arith.constant 1 : i32
        %add3A_123 = vector.broadcast %add3A_122 : i32 to vector<1x1xi32>
        %add3A_124 = arith.addi %while3A_99, %add3A_123 : vector<1x1xi32>
        %ne3A = vector.broadcast %broadcast_in_dim3A_110 : vector<1x1xi32> to vector<100x128xi32>
        %ne3A_125 = arith.cmpi ne, %add3A_78, %ne3A : vector<100x128xi32>
        %and3A_126 = arith.andi %gt3A_103, %ne3A_125 : vector<100x128xi1>
        %gt3A_127 = arith.constant 0 : i32
        %gt3A_128 = vector.broadcast %gt3A_127 : i32 to vector<1x1xi32>
        %gt3A_129 = arith.cmpi sgt, %sub3A_114, %gt3A_128 : vector<1x1xi32>
        %and3A_130 = vector.broadcast %gt3A_129 : vector<1x1xi1> to vector<100x128xi1>
        %and3A_131 = arith.andi %eq3A_73, %and3A_130 : vector<100x128xi1>
        %or3A_132 = arith.ori %gt3A_72, %and3A_131 : vector<100x128xi1>
        %and3A_133 = arith.andi %and3A_126, %or3A_132 : vector<100x128xi1>
        %convert_element_type3A_134 = arith.extui %and3A_133 : vector<100x128xi1> to vector<100x128xi32>
        scf.yield %convert_element_type3A_134, %sub3A_114, %add3A_124, %select_n3A_121 : vector<100x128xi32>, vector<1x1xi32>, vector<1x1xi32>, vector<8x128xi32>
      }
      scf.yield %while3A_95#1, %while3A_95#2, %while3A_95#3 : vector<1x1xi32>, vector<1x1xi32>, vector<8x128xi32>
    }
    %scan3A_56 = arith.constant 125 : i32
    %swap3A = arith.constant 0 : index
    %swap3A_57 = arith.constant 0 : index
    %swap3A_58 = vector.load %arg1[%swap3A, %swap3A_57] : memref<8x128xi32, #tpu.memory_space<vmem>>, vector<8x128xi32>
    tpu.vector_store %arg1[%swap3A, %swap3A_57], %scan3A_55#2 {strides = array<i32>} : memref<8x128xi32, #tpu.memory_space<vmem>>, vector<8x128xi32>,
    return
  }
}

module attributes {stable_mosaic.version = 14 : i64} {
  func.func @_nms_kernel(%arg0: memref<8x128xf32, #tpu.memory_space<vmem>>, %arg1: memref<8x128xf32, #tpu.memory_space<vmem>>, %arg2: memref<8x128xf32, #tpu.memory_space<vmem>>, %arg3: memref<8x128xf32, #tpu.memory_space<vmem>>, %arg4: memref<8x128xf32, #tpu.memory_space<vmem>>, %arg5: memref<8x128xf32, #tpu.memory_space<vmem>>, %arg6: memref<8x128xf32, #tpu.memory_space<vmem>>, %arg7: memref<8x128xf32, #tpu.memory_space<vmem>>, %arg8: memref<8x128xf32, #tpu.memory_space<vmem>>, %arg9: memref<8x128xf32, #tpu.memory_space<vmem>>, %arg10: memref<100x128xf32, #tpu.memory_space<vmem>>) attributes {dimension_semantics = [], scalar_prefetch = 0 : i64, scratch_operands = 0 : i64, tpu.core_type = #tpu.core_type<tc>} {
    %iota3A = tpu.iota {dimensions = array<i32: 0>} : vector<8x128xi32>
    %mul3A = arith.constant 128 : i32
    %mul3A_0 = vector.broadcast %mul3A : i32 to vector<8x128xi32>
    %mul3A_1 = arith.muli %iota3A, %mul3A_0 : vector<8x128xi32>
    %iota3A_2 = tpu.iota {dimensions = array<i32: 1>} : vector<8x128xi32>
    %add3A = arith.addi %mul3A_1, %iota3A_2 : vector<8x128xi32>
    %lt3A = arith.constant 1000 : i32
    %lt3A_3 = vector.broadcast %lt3A : i32 to vector<8x128xi32>
    %lt3A_4 = arith.cmpi slt, %add3A, %lt3A_3 : vector<8x128xi32>
    %get3A = arith.constant 0 : index
    %get3A_5 = arith.constant 0 : index
    %get3A_6 = vector.load %arg4[%get3A, %get3A_5] : memref<8x128xf32, #tpu.memory_space<vmem>>, vector<8x128xf32>
    %get3A_7 = arith.constant 0 : index
    %get3A_8 = arith.constant 0 : index
    %get3A_9 = vector.load %arg5[%get3A_7, %get3A_8] : memref<8x128xf32, #tpu.memory_space<vmem>>, vector<8x128xf32>
    %get3A_10 = arith.constant 0 : index
    %get3A_11 = arith.constant 0 : index
    %get3A_12 = vector.load %arg6[%get3A_10, %get3A_11] : memref<8x128xf32, #tpu.memory_space<vmem>>, vector<8x128xf32>
    %get3A_13 = arith.constant 0 : index
    %get3A_14 = arith.constant 0 : index
    %get3A_15 = vector.load %arg7[%get3A_13, %get3A_14] : memref<8x128xf32, #tpu.memory_space<vmem>>, vector<8x128xf32>
    %sub3A = arith.subf %get3A_12, %get3A_6 : vector<8x128xf32>
    %sub3A_16 = arith.subf %get3A_15, %get3A_9 : vector<8x128xf32>
    %mul3A_17 = arith.constant 5.000000e-01 : f32
    %mul3A_18 = vector.broadcast %mul3A_17 : f32 to vector<8x128xf32>
    %mul3A_19 = arith.mulf %mul3A_18, %sub3A : vector<8x128xf32>
    %add3A_20 = arith.addf %get3A_6, %mul3A_19 : vector<8x128xf32>
    %mul3A_21 = arith.constant 5.000000e-01 : f32
    %mul3A_22 = vector.broadcast %mul3A_21 : f32 to vector<8x128xf32>
    %mul3A_23 = arith.mulf %mul3A_22, %sub3A_16 : vector<8x128xf32>
    %add3A_24 = arith.addf %get3A_9, %mul3A_23 : vector<8x128xf32>
    %get3A_25 = arith.constant 0 : index
    %get3A_26 = arith.constant 0 : index
    %get3A_27 = vector.load %arg0[%get3A_25, %get3A_26] : memref<8x128xf32, #tpu.memory_space<vmem>>, vector<8x128xf32>
    %get3A_28 = arith.constant 0 : index
    %get3A_29 = arith.constant 0 : index
    %get3A_30 = vector.load %arg1[%get3A_28, %get3A_29] : memref<8x128xf32, #tpu.memory_space<vmem>>, vector<8x128xf32>
    %get3A_31 = arith.constant 0 : index
    %get3A_32 = arith.constant 0 : index
    %get3A_33 = vector.load %arg2[%get3A_31, %get3A_32] : memref<8x128xf32, #tpu.memory_space<vmem>>, vector<8x128xf32>
    %min3A = arith.constant 4.13516665 : f32
    %min3A_34 = vector.broadcast %min3A : f32 to vector<8x128xf32>
    %min3A_35 = arith.minimumf %get3A_33, %min3A_34 : vector<8x128xf32>
    %get3A_36 = arith.constant 0 : index
    %get3A_37 = arith.constant 0 : index
    %get3A_38 = vector.load %arg3[%get3A_36, %get3A_37] : memref<8x128xf32, #tpu.memory_space<vmem>>, vector<8x128xf32>
    %min3A_39 = arith.constant 4.13516665 : f32
    %min3A_40 = vector.broadcast %min3A_39 : f32 to vector<8x128xf32>
    %min3A_41 = arith.minimumf %get3A_38, %min3A_40 : vector<8x128xf32>
    %mul3A_42 = arith.mulf %get3A_27, %sub3A : vector<8x128xf32>
    %add3A_43 = arith.addf %mul3A_42, %add3A_20 : vector<8x128xf32>
    %mul3A_44 = arith.mulf %get3A_30, %sub3A_16 : vector<8x128xf32>
    %add3A_45 = arith.addf %mul3A_44, %add3A_24 : vector<8x128xf32>
    %exp3A = math.exp %min3A_35 : vector<8x128xf32>
    %mul3A_46 = arith.mulf %exp3A, %sub3A : vector<8x128xf32>
    %exp3A_47 = math.exp %min3A_41 : vector<8x128xf32>
    %mul3A_48 = arith.mulf %exp3A_47, %sub3A_16 : vector<8x128xf32>
    %mul3A_49 = arith.constant 5.000000e-01 : f32
    %mul3A_50 = vector.broadcast %mul3A_49 : f32 to vector<8x128xf32>
    %mul3A_51 = arith.mulf %mul3A_50, %mul3A_46 : vector<8x128xf32>
    %sub3A_52 = arith.subf %add3A_43, %mul3A_51 : vector<8x128xf32>
    %mul3A_53 = arith.constant 5.000000e-01 : f32
    %mul3A_54 = vector.broadcast %mul3A_53 : f32 to vector<8x128xf32>
    %mul3A_55 = arith.mulf %mul3A_54, %mul3A_48 : vector<8x128xf32>
    %sub3A_56 = arith.subf %add3A_45, %mul3A_55 : vector<8x128xf32>
    %mul3A_57 = arith.constant 5.000000e-01 : f32
    %mul3A_58 = vector.broadcast %mul3A_57 : f32 to vector<8x128xf32>
    %mul3A_59 = arith.mulf %mul3A_58, %mul3A_46 : vector<8x128xf32>
    %add3A_60 = arith.addf %add3A_43, %mul3A_59 : vector<8x128xf32>
    %mul3A_61 = arith.constant 5.000000e-01 : f32
    %mul3A_62 = vector.broadcast %mul3A_61 : f32 to vector<8x128xf32>
    %mul3A_63 = arith.mulf %mul3A_62, %mul3A_48 : vector<8x128xf32>
    %add3A_64 = arith.addf %add3A_45, %mul3A_63 : vector<8x128xf32>
    %get3A_65 = arith.constant 0 : index
    %get3A_66 = arith.constant 0 : index
    %get3A_67 = vector.load %arg8[%get3A_65, %get3A_66] : memref<8x128xf32, #tpu.memory_space<vmem>>, vector<8x128xf32>
    %get3A_68 = arith.constant 0 : index
    %get3A_69 = arith.constant 0 : index
    %get3A_70 = vector.load %arg9[%get3A_68, %get3A_69] : memref<8x128xf32, #tpu.memory_space<vmem>>, vector<8x128xf32>
    %jit3A = arith.constant 0xFF800000 : f32
    %broadcast_in_dim3A = vector.broadcast %jit3A : f32 to vector<8x128xf32>
    %select_n3A = arith.select %lt3A_4, %sub3A_52, %broadcast_in_dim3A : vector<8x128xi1>, vector<8x128xf32>
    %reduce_max3A = vector.shape_cast %select_n3A : vector<8x128xf32> to vector<1x8x128xf32>
    %reduce_max3A_71 = arith.constant dense<0xFF800000> : vector<1xf32>
    %reduce_max3A_72 = vector.multi_reduction <maximumf>, %reduce_max3A, %reduce_max3A_71 [1, 2] : vector<1x8x128xf32> to vector<1xf32>
    %reduce_max3A_73 = vector.shape_cast %reduce_max3A_72 : vector<1xf32> to vector<1x1x1xf32>
    %reduce_max3A_74 = vector.extract %reduce_max3A_73[0, 0, 0] : f32 from vector<1x1x1xf32>
    %jit3A_75 = arith.constant 0xFF800000 : f32
    %broadcast_in_dim3A_76 = vector.broadcast %jit3A_75 : f32 to vector<8x128xf32>
    %select_n3A_77 = arith.select %lt3A_4, %sub3A_56, %broadcast_in_dim3A_76 : vector<8x128xi1>, vector<8x128xf32>
    %reduce_max3A_78 = vector.shape_cast %select_n3A_77 : vector<8x128xf32> to vector<1x8x128xf32>
    %reduce_max3A_79 = arith.constant dense<0xFF800000> : vector<1xf32>
    %reduce_max3A_80 = vector.multi_reduction <maximumf>, %reduce_max3A_78, %reduce_max3A_79 [1, 2] : vector<1x8x128xf32> to vector<1xf32>
    %reduce_max3A_81 = vector.shape_cast %reduce_max3A_80 : vector<1xf32> to vector<1x1x1xf32>
    %reduce_max3A_82 = vector.extract %reduce_max3A_81[0, 0, 0] : f32 from vector<1x1x1xf32>
    %jit3A_83 = arith.constant 0xFF800000 : f32
    %broadcast_in_dim3A_84 = vector.broadcast %jit3A_83 : f32 to vector<8x128xf32>
    %select_n3A_85 = arith.select %lt3A_4, %add3A_60, %broadcast_in_dim3A_84 : vector<8x128xi1>, vector<8x128xf32>
    %reduce_max3A_86 = vector.shape_cast %select_n3A_85 : vector<8x128xf32> to vector<1x8x128xf32>
    %reduce_max3A_87 = arith.constant dense<0xFF800000> : vector<1xf32>
    %reduce_max3A_88 = vector.multi_reduction <maximumf>, %reduce_max3A_86, %reduce_max3A_87 [1, 2] : vector<1x8x128xf32> to vector<1xf32>
    %reduce_max3A_89 = vector.shape_cast %reduce_max3A_88 : vector<1xf32> to vector<1x1x1xf32>
    %reduce_max3A_90 = vector.extract %reduce_max3A_89[0, 0, 0] : f32 from vector<1x1x1xf32>
    %jit3A_91 = arith.constant 0xFF800000 : f32
    %broadcast_in_dim3A_92 = vector.broadcast %jit3A_91 : f32 to vector<8x128xf32>
    %select_n3A_93 = arith.select %lt3A_4, %add3A_64, %broadcast_in_dim3A_92 : vector<8x128xi1>, vector<8x128xf32>
    %reduce_max3A_94 = vector.shape_cast %select_n3A_93 : vector<8x128xf32> to vector<1x8x128xf32>
    %reduce_max3A_95 = arith.constant dense<0xFF800000> : vector<1xf32>
    %reduce_max3A_96 = vector.multi_reduction <maximumf>, %reduce_max3A_94, %reduce_max3A_95 [1, 2] : vector<1x8x128xf32> to vector<1xf32>
    %reduce_max3A_97 = vector.shape_cast %reduce_max3A_96 : vector<1xf32> to vector<1x1x1xf32>
    %reduce_max3A_98 = vector.extract %reduce_max3A_97[0, 0, 0] : f32 from vector<1x1x1xf32>
    %max3A = arith.maximumf %reduce_max3A_90, %reduce_max3A_98 : f32
    %max3A_99 = arith.maximumf %reduce_max3A_82, %max3A : f32
    %max3A_100 = arith.maximumf %reduce_max3A_74, %max3A_99 : f32
    %add3A_101 = arith.constant 1.000000e+00 : f32
    %add3A_102 = arith.addf %max3A_100, %add3A_101 : f32
    %mul3A_103 = vector.broadcast %add3A_102 : f32 to vector<8x128xf32>
    %mul3A_104 = arith.mulf %get3A_67, %mul3A_103 : vector<8x128xf32>
    %add3A_105 = arith.addf %sub3A_52, %mul3A_104 : vector<8x128xf32>
    %add3A_106 = arith.addf %sub3A_56, %mul3A_104 : vector<8x128xf32>
    %add3A_107 = arith.addf %add3A_60, %mul3A_104 : vector<8x128xf32>
    %add3A_108 = arith.addf %add3A_64, %mul3A_104 : vector<8x128xf32>
    %sub3A_109 = arith.subf %add3A_107, %add3A_105 : vector<8x128xf32>
    %sub3A_110 = arith.subf %add3A_108, %add3A_106 : vector<8x128xf32>
    %mul3A_111 = arith.mulf %sub3A_109, %sub3A_110 : vector<8x128xf32>
    %scan3A = arith.constant 0xFF800000 : f32
    %scan3A_112 = arith.constant 0 : i32
    %scan3A_113 = arith.constant 100 : i32
    %scan3A_114 = arith.addi %scan3A_112, %scan3A_113 : i32
    %scan3A_115 = arith.constant 1 : i32
    %scan3A_116 = scf.for %scan3A_118 = %scan3A_112 to %scan3A_114 step %scan3A_115 iter_args(%scan3A_119 = %get3A_70) -> (vector<8x128xf32>)  : i32 {
      %reduce_max3A_120 = vector.shape_cast %scan3A_119 : vector<8x128xf32> to vector<1x8x128xf32>
      %reduce_max3A_121 = arith.constant dense<0xFF800000> : vector<1xf32>
      %reduce_max3A_122 = vector.multi_reduction <maximumf>, %reduce_max3A_120, %reduce_max3A_121 [1, 2] : vector<1x8x128xf32> to vector<1xf32>
      %reduce_max3A_123 = vector.shape_cast %reduce_max3A_122 : vector<1xf32> to vector<1x1x1xf32>
      %reduce_max3A_124 = vector.extract %reduce_max3A_123[0, 0, 0] : f32 from vector<1x1x1xf32>
      %eq3A = vector.broadcast %reduce_max3A_124 : f32 to vector<8x128xf32>
      %eq3A_125 = arith.cmpf oeq, %scan3A_119, %eq3A : vector<8x128xf32>
      %jit3A_126 = arith.constant 1073741824 : i32
      %broadcast_in_dim3A_127 = vector.broadcast %jit3A_126 : i32 to vector<8x128xi32>
      %select_n3A_128 = arith.select %eq3A_125, %add3A, %broadcast_in_dim3A_127 : vector<8x128xi1>, vector<8x128xi32>
      %reduce_min3A = vector.shape_cast %select_n3A_128 : vector<8x128xi32> to vector<1x8x128xi32>
      %reduce_min3A_129 = arith.constant dense<2147483647> : vector<1xi32>
      %reduce_min3A_130 = vector.multi_reduction <minsi>, %reduce_min3A, %reduce_min3A_129 [1, 2] : vector<1x8x128xi32> to vector<1xi32>
      %reduce_min3A_131 = vector.shape_cast %reduce_min3A_130 : vector<1xi32> to vector<1x1x1xi32>
      %reduce_min3A_132 = vector.extract %reduce_min3A_131[0, 0, 0] : i32 from vector<1x1x1xi32>
      %eq3A_133 = vector.broadcast %reduce_min3A_132 : i32 to vector<8x128xi32>
      %eq3A_134 = arith.cmpi eq, %add3A, %eq3A_133 : vector<8x128xi32>
      %jit3A_135 = arith.constant 0.000000e+00 : f32
      %broadcast_in_dim3A_136 = vector.broadcast %jit3A_135 : f32 to vector<8x128xf32>
      %select_n3A_137 = arith.select %eq3A_134, %add3A_105, %broadcast_in_dim3A_136 : vector<8x128xi1>, vector<8x128xf32>
      %reduce_sum3A = vector.shape_cast %select_n3A_137 : vector<8x128xf32> to vector<1x8x128xf32>
      %reduce_sum3A_138 = arith.constant dense<0.000000e+00> : vector<1xf32>
      %reduce_sum3A_139 = vector.multi_reduction <add>, %reduce_sum3A, %reduce_sum3A_138 [1, 2] : vector<1x8x128xf32> to vector<1xf32>
      %reduce_sum3A_140 = vector.shape_cast %reduce_sum3A_139 : vector<1xf32> to vector<1x1x1xf32>
      %reduce_sum3A_141 = vector.extract %reduce_sum3A_140[0, 0, 0] : f32 from vector<1x1x1xf32>
      %jit3A_142 = arith.constant 0.000000e+00 : f32
      %broadcast_in_dim3A_143 = vector.broadcast %jit3A_142 : f32 to vector<8x128xf32>
      %select_n3A_144 = arith.select %eq3A_134, %add3A_106, %broadcast_in_dim3A_143 : vector<8x128xi1>, vector<8x128xf32>
      %reduce_sum3A_145 = vector.shape_cast %select_n3A_144 : vector<8x128xf32> to vector<1x8x128xf32>
      %reduce_sum3A_146 = arith.constant dense<0.000000e+00> : vector<1xf32>
      %reduce_sum3A_147 = vector.multi_reduction <add>, %reduce_sum3A_145, %reduce_sum3A_146 [1, 2] : vector<1x8x128xf32> to vector<1xf32>
      %reduce_sum3A_148 = vector.shape_cast %reduce_sum3A_147 : vector<1xf32> to vector<1x1x1xf32>
      %reduce_sum3A_149 = vector.extract %reduce_sum3A_148[0, 0, 0] : f32 from vector<1x1x1xf32>
      %jit3A_150 = arith.constant 0.000000e+00 : f32
      %broadcast_in_dim3A_151 = vector.broadcast %jit3A_150 : f32 to vector<8x128xf32>
      %select_n3A_152 = arith.select %eq3A_134, %add3A_107, %broadcast_in_dim3A_151 : vector<8x128xi1>, vector<8x128xf32>
      %reduce_sum3A_153 = vector.shape_cast %select_n3A_152 : vector<8x128xf32> to vector<1x8x128xf32>
      %reduce_sum3A_154 = arith.constant dense<0.000000e+00> : vector<1xf32>
      %reduce_sum3A_155 = vector.multi_reduction <add>, %reduce_sum3A_153, %reduce_sum3A_154 [1, 2] : vector<1x8x128xf32> to vector<1xf32>
      %reduce_sum3A_156 = vector.shape_cast %reduce_sum3A_155 : vector<1xf32> to vector<1x1x1xf32>
      %reduce_sum3A_157 = vector.extract %reduce_sum3A_156[0, 0, 0] : f32 from vector<1x1x1xf32>
      %jit3A_158 = arith.constant 0.000000e+00 : f32
      %broadcast_in_dim3A_159 = vector.broadcast %jit3A_158 : f32 to vector<8x128xf32>
      %select_n3A_160 = arith.select %eq3A_134, %add3A_108, %broadcast_in_dim3A_159 : vector<8x128xi1>, vector<8x128xf32>
      %reduce_sum3A_161 = vector.shape_cast %select_n3A_160 : vector<8x128xf32> to vector<1x8x128xf32>
      %reduce_sum3A_162 = arith.constant dense<0.000000e+00> : vector<1xf32>
      %reduce_sum3A_163 = vector.multi_reduction <add>, %reduce_sum3A_161, %reduce_sum3A_162 [1, 2] : vector<1x8x128xf32> to vector<1xf32>
      %reduce_sum3A_164 = vector.shape_cast %reduce_sum3A_163 : vector<1xf32> to vector<1x1x1xf32>
      %reduce_sum3A_165 = vector.extract %reduce_sum3A_164[0, 0, 0] : f32 from vector<1x1x1xf32>
      %jit3A_166 = arith.constant 0.000000e+00 : f32
      %broadcast_in_dim3A_167 = vector.broadcast %jit3A_166 : f32 to vector<8x128xf32>
      %select_n3A_168 = arith.select %eq3A_134, %mul3A_111, %broadcast_in_dim3A_167 : vector<8x128xi1>, vector<8x128xf32>
      %reduce_sum3A_169 = vector.shape_cast %select_n3A_168 : vector<8x128xf32> to vector<1x8x128xf32>
      %reduce_sum3A_170 = arith.constant dense<0.000000e+00> : vector<1xf32>
      %reduce_sum3A_171 = vector.multi_reduction <add>, %reduce_sum3A_169, %reduce_sum3A_170 [1, 2] : vector<1x8x128xf32> to vector<1xf32>
      %reduce_sum3A_172 = vector.shape_cast %reduce_sum3A_171 : vector<1xf32> to vector<1x1x1xf32>
      %reduce_sum3A_173 = vector.extract %reduce_sum3A_172[0, 0, 0] : f32 from vector<1x1x1xf32>
      %jit3A_174 = arith.constant 0.000000e+00 : f32
      %broadcast_in_dim3A_175 = vector.broadcast %jit3A_174 : f32 to vector<8x128xf32>
      %select_n3A_176 = arith.select %eq3A_134, %scan3A_119, %broadcast_in_dim3A_175 : vector<8x128xi1>, vector<8x128xf32>
      %reduce_sum3A_177 = vector.shape_cast %select_n3A_176 : vector<8x128xf32> to vector<1x8x128xf32>
      %reduce_sum3A_178 = arith.constant dense<0.000000e+00> : vector<1xf32>
      %reduce_sum3A_179 = vector.multi_reduction <add>, %reduce_sum3A_177, %reduce_sum3A_178 [1, 2] : vector<1x8x128xf32> to vector<1xf32>
      %reduce_sum3A_180 = vector.shape_cast %reduce_sum3A_179 : vector<1xf32> to vector<1x1x1xf32>
      %reduce_sum3A_181 = vector.extract %reduce_sum3A_180[0, 0, 0] : f32 from vector<1x1x1xf32>
      %gt3A = arith.constant 0.000000e+00 : f32
      %gt3A_182 = arith.cmpf ogt, %reduce_sum3A_181, %gt3A : f32
      %max3A_183 = vector.broadcast %reduce_sum3A_141 : f32 to vector<8x128xf32>
      %max3A_184 = arith.maximumf %add3A_105, %max3A_183 : vector<8x128xf32>
      %max3A_185 = vector.broadcast %reduce_sum3A_149 : f32 to vector<8x128xf32>
      %max3A_186 = arith.maximumf %add3A_106, %max3A_185 : vector<8x128xf32>
      %min3A_187 = vector.broadcast %reduce_sum3A_157 : f32 to vector<8x128xf32>
      %min3A_188 = arith.minimumf %add3A_107, %min3A_187 : vector<8x128xf32>
      %min3A_189 = vector.broadcast %reduce_sum3A_165 : f32 to vector<8x128xf32>
      %min3A_190 = arith.minimumf %add3A_108, %min3A_189 : vector<8x128xf32>
      %sub3A_191 = arith.subf %min3A_188, %max3A_184 : vector<8x128xf32>
      %jit3A_192 = arith.constant 0.000000e+00 : f32
      %max3A_193 = vector.broadcast %jit3A_192 : f32 to vector<8x128xf32>
      %max3A_194 = arith.maximumf %max3A_193, %sub3A_191 : vector<8x128xf32>
      %sub3A_195 = arith.subf %min3A_190, %max3A_186 : vector<8x128xf32>
      %jit3A_196 = arith.constant 0.000000e+00 : f32
      %max3A_197 = vector.broadcast %jit3A_196 : f32 to vector<8x128xf32>
      %max3A_198 = arith.maximumf %max3A_197, %sub3A_195 : vector<8x128xf32>
      %mul3A_199 = arith.mulf %max3A_194, %max3A_198 : vector<8x128xf32>
      %add3A_200 = vector.broadcast %reduce_sum3A_173 : f32 to vector<8x128xf32>
      %add3A_201 = arith.addf %mul3A_111, %add3A_200 : vector<8x128xf32>
      %sub3A_202 = arith.subf %add3A_201, %mul3A_199 : vector<8x128xf32>
      %add3A_203 = arith.constant 9.99999971E-10 : f32
      %add3A_204 = vector.broadcast %add3A_203 : f32 to vector<8x128xf32>
      %add3A_205 = arith.addf %sub3A_202, %add3A_204 : vector<8x128xf32>
      %div3A = arith.divf %mul3A_199, %add3A_205 : vector<8x128xf32>
      %gt3A_206 = arith.constant 5.000000e-01 : f32
      %gt3A_207 = vector.broadcast %gt3A_206 : f32 to vector<8x128xf32>
      %gt3A_208 = arith.cmpf ogt, %div3A, %gt3A_207 : vector<8x128xf32>
      %broadcast_in_dim3A_209 = vector.broadcast %scan3A : f32 to vector<8x128xf32>
      %select_n3A_210 = arith.select %gt3A_208, %broadcast_in_dim3A_209, %scan3A_119 : vector<8x128xi1>, vector<8x128xf32>
      %iota3A_211 = tpu.iota {dimensions = array<i32: 1>} : vector<1x128xi32>
      %broadcast_in_dim3A_212 = arith.constant 0.000000e+00 : f32
      %broadcast_in_dim3A_213 = vector.broadcast %broadcast_in_dim3A_212 : f32 to vector<1x128xf32>
      %jit3A_214 = arith.constant 0.000000e+00 : f32
      %broadcast_in_dim3A_215 = vector.broadcast %jit3A_214 : f32 to vector<8x128xf32>
      %select_n3A_216 = arith.select %eq3A_134, %sub3A_52, %broadcast_in_dim3A_215 : vector<8x128xi1>, vector<8x128xf32>
      %reduce_sum3A_217 = vector.shape_cast %select_n3A_216 : vector<8x128xf32> to vector<1x8x128xf32>
      %reduce_sum3A_218 = arith.constant dense<0.000000e+00> : vector<1xf32>
      %reduce_sum3A_219 = vector.multi_reduction <add>, %reduce_sum3A_217, %reduce_sum3A_218 [1, 2] : vector<1x8x128xf32> to vector<1xf32>
      %reduce_sum3A_220 = vector.shape_cast %reduce_sum3A_219 : vector<1xf32> to vector<1x1x1xf32>
      %reduce_sum3A_221 = vector.extract %reduce_sum3A_220[0, 0, 0] : f32 from vector<1x1x1xf32>
      %jit3A_222 = arith.constant 0.000000e+00 : f32
      %broadcast_in_dim3A_223 = vector.broadcast %jit3A_222 : f32 to vector<8x128xf32>
      %select_n3A_224 = arith.select %eq3A_134, %sub3A_56, %broadcast_in_dim3A_223 : vector<8x128xi1>, vector<8x128xf32>
      %reduce_sum3A_225 = vector.shape_cast %select_n3A_224 : vector<8x128xf32> to vector<1x8x128xf32>
      %reduce_sum3A_226 = arith.constant dense<0.000000e+00> : vector<1xf32>
      %reduce_sum3A_227 = vector.multi_reduction <add>, %reduce_sum3A_225, %reduce_sum3A_226 [1, 2] : vector<1x8x128xf32> to vector<1xf32>
      %reduce_sum3A_228 = vector.shape_cast %reduce_sum3A_227 : vector<1xf32> to vector<1x1x1xf32>
      %reduce_sum3A_229 = vector.extract %reduce_sum3A_228[0, 0, 0] : f32 from vector<1x1x1xf32>
      %jit3A_230 = arith.constant 0.000000e+00 : f32
      %broadcast_in_dim3A_231 = vector.broadcast %jit3A_230 : f32 to vector<8x128xf32>
      %select_n3A_232 = arith.select %eq3A_134, %add3A_60, %broadcast_in_dim3A_231 : vector<8x128xi1>, vector<8x128xf32>
      %reduce_sum3A_233 = vector.shape_cast %select_n3A_232 : vector<8x128xf32> to vector<1x8x128xf32>
      %reduce_sum3A_234 = arith.constant dense<0.000000e+00> : vector<1xf32>
      %reduce_sum3A_235 = vector.multi_reduction <add>, %reduce_sum3A_233, %reduce_sum3A_234 [1, 2] : vector<1x8x128xf32> to vector<1xf32>
      %reduce_sum3A_236 = vector.shape_cast %reduce_sum3A_235 : vector<1xf32> to vector<1x1x1xf32>
      %reduce_sum3A_237 = vector.extract %reduce_sum3A_236[0, 0, 0] : f32 from vector<1x1x1xf32>
      %jit3A_238 = arith.constant 0.000000e+00 : f32
      %broadcast_in_dim3A_239 = vector.broadcast %jit3A_238 : f32 to vector<8x128xf32>
      %select_n3A_240 = arith.select %eq3A_134, %add3A_64, %broadcast_in_dim3A_239 : vector<8x128xi1>, vector<8x128xf32>
      %reduce_sum3A_241 = vector.shape_cast %select_n3A_240 : vector<8x128xf32> to vector<1x8x128xf32>
      %reduce_sum3A_242 = arith.constant dense<0.000000e+00> : vector<1xf32>
      %reduce_sum3A_243 = vector.multi_reduction <add>, %reduce_sum3A_241, %reduce_sum3A_242 [1, 2] : vector<1x8x128xf32> to vector<1xf32>
      %reduce_sum3A_244 = vector.shape_cast %reduce_sum3A_243 : vector<1xf32> to vector<1x1x1xf32>
      %reduce_sum3A_245 = vector.extract %reduce_sum3A_244[0, 0, 0] : f32 from vector<1x1x1xf32>
      %jit3A_246 = arith.constant 0.000000e+00 : f32
      %broadcast_in_dim3A_247 = vector.broadcast %jit3A_246 : f32 to vector<8x128xf32>
      %select_n3A_248 = arith.select %eq3A_134, %get3A_70, %broadcast_in_dim3A_247 : vector<8x128xi1>, vector<8x128xf32>
      %reduce_sum3A_249 = vector.shape_cast %select_n3A_248 : vector<8x128xf32> to vector<1x8x128xf32>
      %reduce_sum3A_250 = arith.constant dense<0.000000e+00> : vector<1xf32>
      %reduce_sum3A_251 = vector.multi_reduction <add>, %reduce_sum3A_249, %reduce_sum3A_250 [1, 2] : vector<1x8x128xf32> to vector<1xf32>
      %reduce_sum3A_252 = vector.shape_cast %reduce_sum3A_251 : vector<1xf32> to vector<1x1x1xf32>
      %reduce_sum3A_253 = vector.extract %reduce_sum3A_252[0, 0, 0] : f32 from vector<1x1x1xf32>
      %eq3A_254 = arith.constant 0 : i32
      %eq3A_255 = vector.broadcast %eq3A_254 : i32 to vector<1x128xi32>
      %eq3A_256 = arith.cmpi eq, %iota3A_211, %eq3A_255 : vector<1x128xi32>
      %jit3A_257 = arith.constant 0.000000e+00 : f32
      %select_n3A_258 = arith.select %gt3A_182, %reduce_sum3A_221, %jit3A_257 : f32
      %broadcast_in_dim3A_259 = vector.broadcast %select_n3A_258 : f32 to vector<1x128xf32>
      %select_n3A_260 = arith.select %eq3A_256, %broadcast_in_dim3A_259, %broadcast_in_dim3A_213 : vector<1x128xi1>, vector<1x128xf32>
      %eq3A_261 = arith.constant 1 : i32
      %eq3A_262 = vector.broadcast %eq3A_261 : i32 to vector<1x128xi32>
      %eq3A_263 = arith.cmpi eq, %iota3A_211, %eq3A_262 : vector<1x128xi32>
      %jit3A_264 = arith.constant 0.000000e+00 : f32
      %select_n3A_265 = arith.select %gt3A_182, %reduce_sum3A_229, %jit3A_264 : f32
      %broadcast_in_dim3A_266 = vector.broadcast %select_n3A_265 : f32 to vector<1x128xf32>
      %select_n3A_267 = arith.select %eq3A_263, %broadcast_in_dim3A_266, %select_n3A_260 : vector<1x128xi1>, vector<1x128xf32>
      %eq3A_268 = arith.constant 2 : i32
      %eq3A_269 = vector.broadcast %eq3A_268 : i32 to vector<1x128xi32>
      %eq3A_270 = arith.cmpi eq, %iota3A_211, %eq3A_269 : vector<1x128xi32>
      %jit3A_271 = arith.constant 0.000000e+00 : f32
      %select_n3A_272 = arith.select %gt3A_182, %reduce_sum3A_237, %jit3A_271 : f32
      %broadcast_in_dim3A_273 = vector.broadcast %select_n3A_272 : f32 to vector<1x128xf32>
      %select_n3A_274 = arith.select %eq3A_270, %broadcast_in_dim3A_273, %select_n3A_267 : vector<1x128xi1>, vector<1x128xf32>
      %eq3A_275 = arith.constant 3 : i32
      %eq3A_276 = vector.broadcast %eq3A_275 : i32 to vector<1x128xi32>
      %eq3A_277 = arith.cmpi eq, %iota3A_211, %eq3A_276 : vector<1x128xi32>
      %jit3A_278 = arith.constant 0.000000e+00 : f32
      %select_n3A_279 = arith.select %gt3A_182, %reduce_sum3A_245, %jit3A_278 : f32
      %broadcast_in_dim3A_280 = vector.broadcast %select_n3A_279 : f32 to vector<1x128xf32>
      %select_n3A_281 = arith.select %eq3A_277, %broadcast_in_dim3A_280, %select_n3A_274 : vector<1x128xi1>, vector<1x128xf32>
      %eq3A_282 = arith.constant 4 : i32
      %eq3A_283 = vector.broadcast %eq3A_282 : i32 to vector<1x128xi32>
      %eq3A_284 = arith.cmpi eq, %iota3A_211, %eq3A_283 : vector<1x128xi32>
      %jit3A_285 = arith.constant 0.000000e+00 : f32
      %select_n3A_286 = arith.select %gt3A_182, %reduce_sum3A_253, %jit3A_285 : f32
      %broadcast_in_dim3A_287 = vector.broadcast %select_n3A_286 : f32 to vector<1x128xf32>
      %select_n3A_288 = arith.select %eq3A_284, %broadcast_in_dim3A_287, %select_n3A_281 : vector<1x128xi1>, vector<1x128xf32>
      %swap3A = arith.index_cast %scan3A_118 : i32 to index
      %swap3A_289 = arith.constant 0 : index
      %swap3A_290 = vector.load %arg10[%swap3A, %swap3A_289] : memref<100x128xf32, #tpu.memory_space<vmem>>, vector<1x128xf32>
      tpu.vector_store %arg10[%swap3A, %swap3A_289], %select_n3A_288 {strides = array<i32>} : memref<100x128xf32, #tpu.memory_space<vmem>>, vector<1x128xf32>,
      scf.yield %select_n3A_210 : vector<8x128xf32>
    }
    %scan3A_117 = arith.constant 100 : i32
    return
  }
}

</mosaic_0001>

<sc_bundles>
// kernel: gather_offload_async_start
scs
__scs_entry_jumppad:
0x0: {  	(pc) =	sbr.rel $0x88, $3  }
0x1: {  	(tag) =	ssettag $0x0;
	lr =	simm.s32 $0x1  }
0x2: {  	[smem:$0x3F9E] =	sst lr;
	_ =	strace $0xD0000000  }
0x3: {  	_ = 	snop  }
0x4: {  	_ = 	snop  }
0x5: {  	_ = 	snop  }
0x6: {  	_ = 	snop  }
0x7: {  	_ = 	snop  }
__scs_overlays_trampoline_lowered:
0x8: {  	[smem:$0x3FAD] =	sst s0  }
0x9: {  	[smem:$0x3FAE] =	sst s1  }
0xa: {  	[smem:$0x3FAF] =	sst s2  }
0xb: {  	[smem:$0x3FB0] =	sst s3  }
0xc: {  	[smem:$0x3FB1] =	sst s4  }
0xd: {  	[smem:$0x3FB2] =	sst s5  }
0xe: {  	[smem:$0x3FB3] =	sst s6  }
0xf: {  	[smem:$0x3FB4] =	sst s7  }
0x10: {  	[smem:$0x3FB5] =	sst s8  }
0x11: {  	[smem:$0x3FB6] =	sst s9;
	s0 =	simm.s32 @!p0 $0x0  }
0x12: {  	s1 =	sld [smem:$0x3F9C];
	s0 =	simm.s32 @p0 $0x1  }
0x13: {  	[smem:$0x3FB7] =	sst s0;
	s0 =	simm.s32 @!p1 $0x0  }
0x14: {  	s2 =	sld [smem:$0x3F9B];
	s0 =	simm.s32 @p1 $0x1  }
0x15: {  	[smem:$0x3FB8] =	sst s0;
	s0 =	simm.s32 @!p2 $0x0  }
0x16: {  	s3 =	sld [smem:$0x3FDB];
	s0 =	simm.s32 @p2 $0x1  }
0x17: {  	s4 =	simm.s32 $0x1BF5;
	[smem:$0x3FBA] =	sst s0  }
0x18: {  	s0 =	sld [smem:$0x3F9D];
	_ =	swait.ge [sflag:s4], $0x0  }
0x19: {  	s7 =	sld [smem:$0x3F9E]  }
0x1a: {  	s8 =	sadd.s32 $0xFFFFE003, lr  }
0x1b: {  	s9 =	sadd.s32 $0xFFFFFEF7, lr;
	s5 =	simm.s32 $0xFFFFFFFF;
	p2 =	slt.u32 s8, $0xFFFFF086  }
0x1c: {  	p1 =	slt.u32 s9, $0xF7A;
	s5 =	simm.s32 @!p2 $0x0  }
0x1d: {  	s5 =	simm.s32 @p1 $0x1;
	p0 =	seq.s32 s7, s2  }
0x1e: {  	s7 =	smul.u32 @!p0 $0xF7A, s2;
	p2 =	seq.s32 @!p0 s5, $0x0  }
0x1f: {  	s9 =	smul.u32 $0xF7A, s1;
	s8 =	simm.s32 @!p0 $0x1BF5;
	p2 =	por !p2, p0  }
0x20: {  	[sflag:s8] =	ssyncset.s32 @!p0 $0xFFFFF086;
	s6 =	sadd.s32 @!p0 s3, s7;
	s7 =	simm.s32 @!p0 $0x108  }
0x21: {  	s3 =	sadd.s32 s3, s9;
	s6 =	sadd.s32 @!p0 $0x88, s6;
	s7 =	simm.s32 @p2 $0x1082  }
0x22: {  	[simem:s7], [sflag:s8] =	dma.local @!p0 [hbm:s6], $0xF7A  }
0x23: {  	s9 =	sor.u32 $0xD0000000, s2;
	s6 =	simm.s32 $0x108;
	_ =	swait.ge @!p0 [sflag:s8], $0x0  }
0x24: {  	s3 =	sadd.s32 $0x88, s3;
	s6 =	simm.s32 @!p1 $0x1082;
	[sflag:s4] =	ssyncset.s32 $0xFFFFF086  }
0x25: {  	[simem:s6], [sflag:s4] =	dma.local [hbm:s3], $0xF7A  }
0x26: {  	[smem:$0x3F9E] =	sst s1;
	(tag) =	ssettag s2;
	_ =	strace s9  }
0x27: {  	s1 =	sld [smem:$0x3FAE]  }
0x28: {  	s2 =	sld [smem:$0x3FAF]  }
0x29: {  	s4 =	sld [smem:$0x3FB1]  }
0x2a: {  	p0 =	seq.s32 s5, $0x0;
	s5 =	sld [smem:$0x3FB2]  }
0x2b: {  	s6 =	sld [smem:$0x3FB3]  }
0x2c: {  	s7 =	sld [smem:$0x3FB4]  }
0x2d: {  	s3 =	simm.s32 $0x108;
	s8 =	sld [smem:$0x3FB5]  }
0x2e: {  	s3 =	simm.s32 @!p0 $0x1082;
	s9 =	sld [smem:$0x3FB6]  }
0x2f: {  	lr =	sadd.s32 s0, s3;
	s0 =	sld [smem:$0x3FAD]  }
0x30: {  	s3 =	sld [smem:$0x3FB0]  }
0x31: {  	[smem:$0x3FB9] =	sst s10  }
0x32: {  	s10 =	sld [smem:$0x3FB7];
	_ =	sdelay $0x3  }
0x33: {  	p0 =	seq.s32 s10, $0x1;
	s10 =	sld [smem:$0x3FB9];
	_ =	sdelay $0x3  }
0x34: {  	[smem:$0x3FB9] =	sst s10  }
0x35: {  	s10 =	sld [smem:$0x3FB8];
	_ =	sdelay $0x3  }
0x36: {  	p1 =	seq.s32 s10, $0x1;
	s10 =	sld [smem:$0x3FB9];
	_ =	sdelay $0x3  }
0x37: {  	[smem:$0x3FB9] =	sst s10  }
0x38: {  	s10 =	sld [smem:$0x3FBA]  }
0x39: {  	_ = 	snop;
	(pc) =	sbr.ind lr, $3  }
0x3a: {  	_ = 	snop  }
0x3b: {  	_ = 	snop  }
0x3c: {  	p2 =	seq.s32 s10, $0x1;
	s10 =	sld [smem:$0x3FB9]  }
0x3d: {  	_ =	shalt  }
0x3e: {  	_ =	shalt  }
0x3f: {  	_ =	shalt  }
0x40: {  	_ =	shalt  }
0x41: {  	_ =	shalt  }
0x42: {  	_ =	shalt  }
0x43: {  	_ =	shalt  }
0x44: {  	_ =	shalt  }
0x45: {  	_ =	shalt  }
0x46: {  	_ =	shalt  }
0x47: {  	_ =	shalt  }
0x48: {  	_ =	shalt  }
0x49: {  	_ =	shalt  }
0x4a: {  	_ =	shalt  }
0x4b: {  	_ =	shalt  }
0x4c: {  	_ =	shalt  }
0x4d: {  	_ =	shalt  }
0x4e: {  	_ =	shalt  }
0x4f: {  	_ =	shalt  }
0x50: {  	_ =	shalt  }
0x51: {  	_ =	shalt  }
0x52: {  	_ =	shalt  }
0x53: {  	_ =	shalt  }
0x54: {  	_ =	shalt  }
0x55: {  	_ =	shalt  }
0x56: {  	_ =	shalt  }
0x57: {  	_ =	shalt  }
0x58: {  	_ =	shalt  }
0x59: {  	_ =	shalt  }
0x5a: {  	_ =	shalt  }
0x5b: {  	_ =	shalt  }
0x5c: {  	_ =	shalt  }
0x5d: {  	_ =	shalt  }
0x5e: {  	_ =	shalt  }
0x5f: {  	_ =	shalt  }
0x60: {  	_ =	shalt  }
0x61: {  	_ =	shalt  }
0x62: {  	_ =	shalt  }
0x63: {  	_ =	shalt  }
0x64: {  	_ =	shalt  }
0x65: {  	_ =	shalt  }
0x66: {  	_ =	shalt  }
0x67: {  	_ =	shalt  }
0x68: {  	_ =	shalt  }
0x69: {  	_ =	shalt  }
0x6a: {  	_ =	shalt  }
0x6b: {  	_ =	shalt  }
0x6c: {  	_ =	shalt  }
0x6d: {  	_ =	shalt  }
0x6e: {  	_ =	shalt  }
0x6f: {  	_ =	shalt  }
0x70: {  	_ =	shalt  }
0x71: {  	_ =	shalt  }
0x72: {  	_ =	shalt  }
0x73: {  	_ =	shalt  }
0x74: {  	_ =	shalt  }
0x75: {  	_ =	shalt  }
0x76: {  	_ =	shalt  }
0x77: {  	_ =	shalt  }
0x78: {  	_ =	shalt  }
0x79: {  	_ =	shalt  }
0x7a: {  	_ =	shalt  }
0x7b: {  	_ =	shalt  }
0x7c: {  	_ =	shalt  }
0x7d: {  	_ =	shalt  }
0x7e: {  	_ =	shalt  }
0x7f: {  	_ =	shalt  }
0x80: {  	_ =	shalt  }
0x81: {  	_ =	shalt  }
0x82: {  	_ =	shalt  }
0x83: {  	_ =	shalt  }
0x84: {  	_ =	shalt  }
0x85: {  	_ =	shalt  }
0x86: {  	_ =	shalt  }
0x87: {  	_ =	shalt  }
.Lfunc_end0:
.L_simem_size_0:
called_computation_lowered:
.L_overlay_start_0:
0x88: {  	s2 =	sld [smem:$0x3FD9]  }
0x89: {  	s3 =	sld [smem:$0x3FFE];
	_ =	sdelay $0x1  }
0x8a: {  	s1 =	srdreg.scid  }
0x8b: {  	s0 =	sand.u32 $0x1, s1  }
0x8c: {  	s17 =	sshll.u32 s0, $0xA;
	s2 =	sadd.s32 s3, s2  }
0x8d: {  	s2 =	sadd.s32 s2, s17  }
0x8e: {  	[smem:$0x3FC5] =	sst s2  }
0x8f: {  	_ = 	snop  }
0x90: {  	s2 =	sld [smem:$0x3FC8];
	(tm) =	ssettm $0x1  }
0x91: {  	s18 =	sld [smem:$0x3FFB];
	_ =	sdelay $0x3  }
0x92: {  	_ =	strace s18  }
0x93: {  	s3 =	sld [smem:$0x3FFC];
	_ =	sdelay $0x3  }
0x94: {  	_ =	strace s3  }
0x95: {  	s3 =	sld [smem:$0x3FFD];
	_ =	sdelay $0x3  }
0x96: {  	_ =	strace s3  }
0x97: {  	_ =	strace $0x8FFFFFFF  }
0x98: {  	s19 =	sld [smem:$0x3FDB];
	_ =	sdelay $0x1  }
0x99: {  	s4 =	simm.s32 $_scs_section_size  }
0x9a: {  	s5 =	simm.s32 $_size__tile_overlayer_lowered;
	s6 =	simm.s32 $_tile_overlayer_lowered  }
0x9b: {  	s22 =	simm.s32 $0x1BFF;
	s21 =	sshll.u32 s6, $0x1;
	s3 =	sadd.s32 s4, s19  }
0x9c: {  	s7 =	simm.s32 $0x0;
	s20 =	sshll.u32 s5, $0x1;
	s5 =	sadd.s32 s21, s3  }
0x9d: {  	[timem:s7], [sflag:s22] =	dma.local [hbm:s5], s20  }
0x9e: {  	_ =	swait.ge [sflag:s22], s20  }
0x9f: {  	s4 =	ssub.s32 $0x0, s20;
	[sflag:s22] =	ssyncset.done $0x0  }
0xa0: {  	[sflag:s22] =	ssyncadd.s32 s4;
	_ =	sdelay $0x1  }
0xa1: {  	s23 =	simm.s32 $0x1B8B  }
0xa2: {  	_ =	swait.ge [sflag:s23], $0x1  }
0xa3: {  	[sflag:s23] =	ssyncset.done $0x0  }
0xa4: {  	s25 =	simm.s32 $0x1B8E;
	s24 =	sld [smem:$0x3FFE];
	[sflag:s23] =	ssyncadd.s32 $0xFFFFFFFF  }
0xa5: {  	s26 =	simm.s32 $execute0_lowered;
	[smem:$0x3FD2] =	sst s25  }
0xa6: {  	s5 =	sshll.u32 s26, $0x1;
	_ =	strace $0x80000046;
	[dreg:$0x1] =	wrdreg $0xFFFFFFFF  }
0xa7: {  	s28 =	simm.s32 $_size_execute0_lowered;
	s3 =	sadd.s32 s3, s5;
	[dreg:$0x0] =	wrdreg $0x0  }
0xa8: {  	s5 =	sshll.u32 s28, $0x1;
	[dreg:$0x2] =	wrdreg s3  }
0xa9: {  	[dreg:$0x3] =	wrdreg s5  }
0xaa: {  	[dreg:$0x4] =	wrdreg $0xC0  }
0xab: {  	_ =	task [dreg:s7], $0x5FFFF  }
0xac: {  	[dreg:$0x1] =	wrdreg $0xFFFFFFFF  }
0xad: {  	[dreg:$0x0] =	wrdreg $0x60  }
0xae: {  	[dreg:$0x2] =	wrdreg s2  }
0xaf: {  	[dreg:$0x3] =	wrdreg s24  }
0xb0: {  	[dreg:$0x4] =	wrdreg $0x9  }
0xb1: {  	_ =	task.clear_ibuf [dreg:s7], $0x5FFFF;
	_ =	strace $0x90000046  }
0xb2: {  	s29 =	simm.s32 $0x9;
	_ =	strace $0x80000048  }
0xb3: {  	_ =	swait.ge [sflag:s29], $0x1  }
0xb4: {  	[sflag:s29] =	ssyncadd.s32 $0xFFFFFFFF  }
0xb5: {  	_ =	strace $0x90000048  }
0xb6: {  	_ =	sfence  }
0xb7: {  	s30 =	sld [smem:$0x0];
	_ =	sdelay $0x2  }
0xb8: {  	s31 =	sshll.u32 s1, $0xD;
	s1 =	sshrl.u32 s1, $0x2  }
0xb9: {  	s3 =	sand.u32 $0x4000, s31;
	s1 =	sadd.s32 s1, s30  }
0xba: {  	s0 =	sor.u32 s3, s0;
	s1 =	sshll.u32 s1, $0x11  }
0xbb: {  	s0 =	sor.u32 s1, s0  }
0xbc: {  	s0 =	sadd.s32 $0x8F2B, s0  }
0xbd: {  	[sflag:s0] =	ssyncadd.remote.s32 $0x1  }
0xbe: {  	_ =	sfence.sel $0xFFFF  }
0xbf: {  	[dreg:$0x0] =	wrdreg $0xFFFFFFFF;
	(pc) =	sbr.abs _section_cstart, $3  }
0xc0: {  	[dreg:$0x1] =	wrdreg $0xFFFFFFFF  }
0xc1: {  	_ =	task.clear_ibuf [dreg:s7], $0x2FFFF;
	_ =	strace $0x9FFFFFFF  }
0xc2: {  	(tm) =	ssettm $0x7FFFFFFF  }
0xc3: {  	_ =	shalt  }
tec
execute0_lowered:
.L_overlay_start_1:
0x0: {  	(tag) =	ssettag $0x1  }
0x1: {  	s1 =	srdreg.scid;
	s2 =	rddreg [dreg:$0x0]  }
0x2: {  	s0 =	stileid.u32;
	s5 =	rddreg [dreg:$0x1];
	s6 =	simm.s32 $0x1  }
0x3: {  	s9 =	simm.s32 $0x1;
	s10 =	simm.s32 $0x3;
	s1 =	sshll.u32 s1, $0x6  }
0x4: {  	s13 =	simm.s32 $0x0;
	s3 =	sshll.u32 s0, $0x7;
	s4 =	sand.u32 $0x40, s1  }
0x5: {  	s12 =	simm.s32 $0x0;
	s1 =	rddreg [dreg:$0x2];
	s3 =	sor.u32 s3, s4  }
0x6: {  	_ =	strace $0x80000047;
	s4 =	sadd.s32 $0x200, s5;
	s8 =	ssub.s32 $0x1000, s3  }
.Ltmp0:
0x7: {  	s5 =	sadd.s32 $0x800, s5;
	s7 =	sand.u32 $0x7C0, s8;
	(pc) =	sbr.rel .LBB2_1-.Ltmp0, $4  }
0x8: {  	[sflag:s6] =	ssyncpa.u1 $0x0;
	s11 =	smov.u32 s3;
	p0 =	sne.s32 s7, $0x0  }
0x9: {  	s8 =	sshrl.u32 s8, $0xB;
	s7 =	simm.s32 $0x2;
	s9 =	simm.s32 @!p0 $0x0  }
0xa: {  	[sflag:s7] =	ssyncpa.u1 $0x0;
	p0 =	por $0x0, $0x0;
	s8 =	sadd.s32 s9, s8  }
0xb: {  	vm0 =	vmmov $0xffff;
	[sflag:s10] =	ssyncpa.u1 $0x0;
	s10 =	simm.s32 $0x0;
	s9 =	sadd.s32 $0x1, s8  }
.LBB2_4:
0xc: {  	vm1 =	veq.s32 v0, $0x80000000;
	v3 =	vand.u32 $0x1FF, v3  }
0xd: {  	v62 =	vand.u32 $0x7FFF, v0;
	v3 =	vsel vm1, $0xFFFFFFFF, v3  }
0xe: {  	v0 =	vsel vm1, $0xFFFFFFFF, v62;
	v4 =	vshrl.u32 v3, $0x3  }
0xf: {  	v5 =	vshll.u32 v0, $0x3;
	v4 =	vmul.u32 $0x27400, v4  }
0x10: {  	v3 =	vshll.u32 v3, $0x7;
	v5 =	vand.u32 $0xFFFFFC00, v5  }
0x11: {  	v1 =	vor.u32 v1, v2;
	v3 =	vand.u32 $0x380, v3;
	v63 =	vadd.s32 v5, v4  }
0x12: {  	v0 =	vand.u32 $0x7F, v0;
	v2 =	vor.u32 v3, v63  }
0x13: {  	v0 =	vor.u32 v0, v2;
	_ =	sdelay $0x1  }
0x14: {  	(ifvalue) =	ssetifvalue $0x7FFFFFFF;
	s15 =	sadd.s32 $0x10, s15  }
0x15: {  	[tilespmem:s15], [sflag:$0x1] =	stream.indirect_vreg.gather [hbm4b:s2+s10], $0x1, v1, vm0, $0x4038;
	[tilespmem:$0x100] =	vst v63  }
0x16: {  	(ifvalue) =	ssetifvalue $0x7FFFFFFF;
	s15 =	sadd.s32 $0x10, s15  }
0x17: {  	[tilespmem:s15], [sflag:$0x1] =	stream.indirect_vreg.gather [hbm4b:s2+s10], $0x1, v0, vm0, $0x4038;
	[tilespmem:$0x100] =	vst v63  }
0x18: {  	_ =	swait.ge [sflag:s6], $0x40  }
0x19: {  	s30 =	sshrl.u32 s13, $0x3;
	[sflag:s6] =	ssyncset.done $0x0  }
0x1a: {  	s31 =	sand.u32 $0x7, s13;
	s15 =	sadd.s32 s5, s30;
	[sflag:s6] =	ssyncadd.s32 $0xFFFFFFC0  }
0x1b: {  	[hbm4b:s15+s31] =	stream.linear.scatter [tilespmem:s14], [sflag:$0x3], $0x40, $0x38;
	[tilespmem:$0x100] =	vst v63  }
.LBB2_5:
0x1c: {  	s15 =	sadd.s32 $0x800, s11  }
0x1d: {  	p2 =	sgt.s32 s15, $0xFFF  }
0x1e: {  	s15 =	smov.u32 @p2 s3;
	p2 =	sne.s32 s12, s9  }
.Ltmp1:
0x1f: {  	p1 =	slt.u32 s12, $0x2;
	(pc) =	sbr.rel @!p2 .LBB2_6-.Ltmp1, $4  }
0x20: {  	s14 =	simm.s32 @!p1 $0x3  }
0x21: {  	s16 =	sadd.s32 $0x1, s12;
	_ =	swait.ge @!p1 [sflag:s14], $0x40  }
0x22: {  	s13 =	smov.u32 s11;
	p0 =	por !p0, !p0;
	[sflag:s14] =	ssyncset.done @!p1 $0x0  }
0x23: {  	s12 =	smov.u32 s16;
	s11 =	smov.u32 s15;
	[sflag:s14] =	ssyncadd.s32 @!p1 $0xFFFFFFC0  }
.LBB2_1:
0x24: {  	p1 =	sge.u32 s12, s8  }
0x25: {  	s14 =	sxor.u32 @!p1 $0xFFFFFFFF, s12  }
0x26: {  	s31 =	sadd.s32 $0xFFFFFFFF, s12;
	s15 =	sshrl.u32 @!p1 s11, $0x3;
	s14 =	sshll.u32 @!p1 s14, $0x6  }
0x27: {  	s16 =	sand.u32 @!p1 $0x7, s11;
	s15 =	sadd.s32 @!p1 s4, s15;
	s14 =	sand.u32 @!p1 $0x40, s14  }
0x28: {  	[tilespmem:s14], [sflag:$0x2] =	stream.linear.gather @!p1 [hbm4b:s15+s16], $0x40, $0x38;
	[tilespmem:$0x100] =	vst v63  }
0x29: {  	p1 =	sge.u32 s31, s8  }
.Ltmp2:
0x2a: {  	_ = 	snop;
	(pc) =	sbr.rel @p1 .LBB2_5-.Ltmp2, $1  }
0x2b: {  	_ =	sdelay $0x3  }
0x2c: {  	s14 =	simm.s32 $0x1  }
0x2d: {  	_ =	swait.ge [sflag:s7], $0x40;
	s14 =	simm.s32 @!p0 $0x0  }
0x2e: {  	[sflag:s7] =	ssyncset.done $0x0;
	s14 =	sshll.u32 s14, $0x6  }
0x2f: {  	[sflag:s7] =	ssyncadd.s32 $0xFFFFFFC0;
	(ifvalue) =	ssetifvalue $0x7FFFFFFF;
	v0 =	vld.msk [tilespmem:s14+$0x0 ss:$0x1], $0xffff;
	_ =	sdelay $0x4  }
0x30: {  	v1 =	vshrl.u32 v0, $0xF  }
0x31: {  	s15 =	sadd.s32 $0x10, s14;
	vm1 =	veq.s32 v0, $0x80000000;
	v1 =	vand.u32 $0x1FF, v1  }
0x32: {  	v2 =	vld.msk [tilespmem:s15+$0x0 ss:$0x1], $0xffff;
	v0 =	vand.u32 $0x7FFF, v0;
	v1 =	vsel vm1, $0xFFFFFFFF, v1  }
0x33: {  	v0 =	vsel vm1, $0xFFFFFFFF, v0;
	v3 =	vshrl.u32 v1, $0x3  }
0x34: {  	v4 =	vshll.u32 v0, $0x3;
	v3 =	vmul.u32 $0x27400, v3  }
0x35: {  	v4 =	vand.u32 $0xFFFFFC00, v4;
	v1 =	vshll.u32 v1, $0x7  }
0x36: {  	v1 =	vand.u32 $0x380, v1;
	v3 =	vadd.s32 v4, v3  }
0x37: {  	v1 =	vor.u32 v1, v3;
	v3 =	vshrl.u32 v2, $0xF  }
0x38: {  	s17 =	sadd.s32 $0x10, s15;
	v0 =	vand.u32 $0x7F, v0;
	vm1 =	veq.s32 v2, $0x80000000;
	v3 =	vand.u32 $0x1FF, v3  }
0x39: {  	v2 =	vand.u32 $0x7FFF, v2;
	v1 =	vor.u32 v0, v1;
	v0 =	vld.msk [tilespmem:s17+$0x0 ss:$0x1], $0xffff;
	v3 =	vsel vm1, $0xFFFFFFFF, v3  }
0x3a: {  	v2 =	vsel vm1, $0xFFFFFFFF, v2;
	v4 =	vshrl.u32 v3, $0x3  }
0x3b: {  	s31 =	sshll.u32 s12, $0x6;
	v5 =	vshll.u32 v2, $0x3;
	v4 =	vmul.u32 $0x27400, v4  }
0x3c: {  	s16 =	simm.s32 $0x20;
	s15 =	sor.u32 $0x80, s14;
	s14 =	sand.u32 $0x40, s31;
	v5 =	vand.u32 $0xFFFFFC00, v5;
	v3 =	vshll.u32 v3, $0x7  }
0x3d: {  	s14 =	sor.u32 $0x80, s14;
	(ifvalue) =	ssetifvalue $0x7FFFFFFF;
	s17 =	sadd.s32 $0x10, s17;
	v4 =	vadd.s32 v5, v4;
	v5 =	vand.u32 $0x380, v3  }
0x3e: {  	[tilespmem:s15], [sflag:$0x1] =	stream.indirect_vreg.gather [hbm4b:s2+s10], $0x1, v1, vm0, $0x4038;
	v3 =	vshrl.u32 v0, $0xF;
	v1 =	vand.u32 $0x7F, v2;
	v2 =	vor.u32 v5, v4;
	[tilespmem:$0x100] =	vst v63  }
.LBB2_3:
0x3f: {  	v4 =	vld.msk [tilespmem:s17+$0x0 ss:$0x1], $0xffff;
	s16 =	sadd.s32 $0x10, s16;
	vm1 =	veq.s32 v0, $0x80000000;
	v3 =	vand.u32 $0x1FF, v3;
	v1 =	vor.u32 v1, v2  }
0x40: {  	v0 =	vand.u32 $0x7FFF, v0;
	p1 =	slt.u32 s16, $0x30;
	v2 =	vsel vm1, $0xFFFFFFFF, v3  }
.Ltmp3:
0x41: {  	v0 =	vsel vm1, $0xFFFFFFFF, v0;
	v3 =	vshrl.u32 v2, $0x3;
	(pc) =	sbr.rel @p1 .LBB2_3-.Ltmp3, $4  }
0x42: {  	v5 =	vshll.u32 v0, $0x3;
	v3 =	vmul.u32 $0x27400, v3  }
0x43: {  	s15 =	sadd.s32 $0x10, s15;
	v2 =	vshll.u32 v2, $0x7;
	v5 =	vand.u32 $0xFFFFFC00, v5;
	(ifvalue) =	ssetifvalue $0x7FFFFFFF  }
0x44: {  	v2 =	vand.u32 $0x380, v2;
	v5 =	vadd.s32 v5, v3;
	[tilespmem:s15], [sflag:$0x1] =	stream.indirect_vreg.gather [hbm4b:s2+s10], $0x1, v1, vm0, $0x4038;
	[tilespmem:$0x100] =	vst v63  }
0x45: {  	s17 =	sadd.s32 $0x10, s17;
	v3 =	vshrl.u32 v4, $0xF;
	v1 =	vand.u32 $0x7F, v0;
	v0 =	vmovc v4;
	v2 =	vor.u32 v2, v5  }
.Ltmp4:
0x46: {  	_ = 	snop;
	(pc) =	sbr.rel .LBB2_4-.Ltmp4, $1  }
0x47: {  	_ =	sdelay $0x3  }
.LBB2_6:
0x48: {  	_ =	sfence.sel $0x180000  }
0x49: {  	s2 =	simm.s32 $0x2;
	[bflag:$0x0] =	sbarrier.arrive $0xFFFF  }
0x4a: {  	s30 =	simm.s32 $0x3;
	[sflag:s2] =	ssyncpa.u1 $0x1  }
0x4b: {  	s31 =	simm.s32 $0x1;
	[sflag:s30] =	ssyncpa.u1 $0x1  }
0x4c: {  	[sflag:s31] =	ssyncpa.u1 $0x1  }
0x4d: {  	p0 =	sne.s32 s0, $0x0;
	_ =	strace $0x90000047  }
0x4e: {  	s0 =	sadd.s32 @!p0 $0x100000, s1;
	[bflag:$0x2] =	sbarrier.arrive $0xFFFF  }
0x4f: {  	[sflag:s0] =	ssyncadd.tile.s32 @!p0 $0x1;
	_ =	shalt  }
.Lfunc_end2:
_tile_overlayer_lowered:
.L_overlay_start_2:
0x50: {  	(tag) =	ssettag $0x2  }
0x51: {  	s0 =	rddreg [dreg:$0x0];
	s2 =	stileid.u32  }
0x52: {  	s1 =	rddreg [dreg:$0x1];
	p0 =	sne.s32 s2, $0x0  }
0x53: {  	s3 =	rddreg [dreg:$0x2];
	[bflag:$0x3] =	sbarrier.arrive $0xFFFF;
	s2 =	simm.s32 @!p0 $0x1C01  }
0x54: {  	[timem:s3], [sflag:s2] =	dma.local @!p0 [hbm:s0], s1  }
0x55: {  	s0 =	simm.s32 @!p0 $0x1  }
0x56: {  	_ =	swait.ge @!p0 [sflag:s0], s1  }
0x57: {  	s1 =	ssub.s32 @!p0 $0x0, s1;
	[sflag:s0] =	ssyncset.done @!p0 $0x0  }
0x58: {  	[sflag:s0] =	ssyncadd.s32 @!p0 s1  }
0x59: {  	[bflag:$0x3] =	sbarrier.arrive $0xFFFF  }
0x5a: {  	_ =	shalt  }

</sc_bundles>
